<compile_context>
chip_gen: v7x
topology: tpu7x:2x2x1
jax: 0.10.2.dev20260603
libtpu: 0.0.44.dev20260713+nightly
codegen_flags: <defaults>
</compile_context>

<pallas_src>
import functools

import jax
import jax.numpy as jnp
from jax import lax
from jax.experimental import pallas as pl
from jax.experimental.pallas import tpu as pltpu
from jax.experimental.pallas import tpu_sc as plsc

N_NODES = 10000
N_PAD = 10240
D_IN = 256
D_HID = 256
D_OUT = 128
N_EDGES = 160000
E_PAD = 163840
EC = 128
EDGE_ROWS = E_PAD // EC
ROWS_PER_TILE = EDGE_ROWS // 16
HALF = ROWS_PER_TILE // 2
NC, NS, L = 2, 16, 16
NODE_ROWS_PER_TILE = N_PAD // NS

_VMESH = plsc.VectorSubcoreMesh(core_axis_name="c", subcore_axis_name="s")


def _deg_body(dst_hbm, iota_hbm, out_hbm, dstv, hist2, iota_v, acc2):
    c = lax.axis_index("c")
    s = lax.axis_index("s")
    zrows = 128 // NS

    z16 = jnp.zeros((L,), jnp.float32)

    def _z(r, _):
        def _zq(q, _):
            hist2[r, pl.ds(q * L, L)] = z16
            return 0

        return lax.fori_loop(0, 128 // L, _zq, 0)

    lax.fori_loop(0, 128, _z, 0)

    pltpu.sync_copy(hist2.at[pl.ds(s * zrows, zrows)],
                    acc2.at[pl.ds(s * zrows, zrows)])

    rows = EDGE_ROWS // (NC * NS)
    base = (c * NS + s) * rows
    pltpu.sync_copy(dst_hbm.at[pl.ds(base, rows)], dstv)
    pltpu.sync_copy(iota_hbm, iota_v)

    ones = jnp.ones((L,), jnp.float32)

    def _row(r, _):
        def _vec(q, _):
            v = dstv[r, pl.ds(q * L, L)]
            hi = lax.shift_right_logical(v, 7)
            lo = lax.bitwise_and(v, 127)
            plsc.addupdate_scatter(hist2, (hi, lo), ones)
            return 0

        return lax.fori_loop(0, EC // L, _vec, 0)

    lax.fori_loop(0, rows, _row, 0)
    plsc.subcore_barrier()

    pltpu.sync_copy(hist2, acc2.at[iota_v.at[0]], add=True)
    plsc.subcore_barrier()

    pltpu.sync_copy(acc2.at[pl.ds(s * zrows, zrows)],
                    out_hbm.at[pl.ds(c * 128 + s * zrows, zrows)])


_deg_kernel = functools.partial(
    pl.kernel,
    out_type=jax.ShapeDtypeStruct((NC * 128, 128), jnp.float32),
    mesh=_VMESH,
    scratch_types=[
        pltpu.VMEM((EDGE_ROWS // (NC * NS), EC), jnp.int32),
        pltpu.VMEM((128, 128), jnp.float32),
        pltpu.VMEM((1, 128), jnp.int32),
        pltpu.VMEM_SHARED((128, 128), jnp.float32),
    ],
    compiler_params=pltpu.CompilerParams(needs_layout_passes=False),
)(_deg_body)


def _agg_body(hp_hbm, src2_hbm, dst_hbm, out_hbm, srcv, dstv, rows2, acc,
              gsem, ssema, ssemb):
    c = lax.axis_index("c")
    s = lax.axis_index("s")

    nbase = c * N_PAD + s * NODE_ROWS_PER_TILE
    pltpu.sync_copy(hp_hbm.at[pl.ds(nbase, NODE_ROWS_PER_TILE)],
                    acc.at[pl.ds(s * NODE_ROWS_PER_TILE, NODE_ROWS_PER_TILE)])
    plsc.subcore_barrier()

    ebase = c * EDGE_ROWS + s * ROWS_PER_TILE
    dbase = s * 2 * ROWS_PER_TILE

    def _half(h, _):
        pltpu.sync_copy(src2_hbm.at[pl.ds(ebase + h * HALF, HALF)], srcv)
        pltpu.sync_copy(dst_hbm.at[pl.ds(dbase + h * 2 * HALF, 2 * HALF)],
                        dstv)
        pltpu.async_copy(hp_hbm.at[srcv.at[0]], rows2.at[pl.ds(0, EC)],
                         gsem).wait()

        def _step(j, _):
            p = (j % 2) * EC
            pn = EC - p
            jn = lax.rem(j + 1, HALF)
            d = pltpu.async_copy(hp_hbm.at[srcv.at[jn]],
                                 rows2.at[pl.ds(pn, EC)], gsem)
            da = pltpu.async_copy(rows2.at[pl.ds(p, EC // 2)],
                                  acc.at[dstv.at[2 * j]], ssema, add=True)
            db = pltpu.async_copy(rows2.at[pl.ds(p + EC // 2, EC // 2)],
                                  acc.at[dstv.at[2 * j + 1]], ssemb, add=True)
            da.wait()
            db.wait()
            d.wait()
            return 0

        return lax.fori_loop(0, HALF, _step, 0)

    lax.fori_loop(0, 2, _half, 0)
    plsc.subcore_barrier()

    pltpu.sync_copy(acc.at[pl.ds(s * NODE_ROWS_PER_TILE, NODE_ROWS_PER_TILE)],
                    out_hbm.at[pl.ds(nbase, NODE_ROWS_PER_TILE)])


_agg_kernel = functools.partial(
    pl.kernel,
    out_type=jax.ShapeDtypeStruct((2 * N_PAD, 128), jnp.float32),
    mesh=_VMESH,
    scratch_types=[
        pltpu.VMEM((HALF, EC), jnp.int32),
        pltpu.VMEM((2 * HALF, EC // 2), jnp.int32),
        pltpu.VMEM((2 * EC, 128), jnp.float32),
        pltpu.VMEM_SHARED((N_PAD, 128), jnp.float32),
        pltpu.SemaphoreType.DMA,
        pltpu.SemaphoreType.DMA,
        pltpu.SemaphoreType.DMA,
    ],
    compiler_params=pltpu.CompilerParams(needs_layout_passes=False),
)(_agg_body)


_BN = 5120
_NB = N_PAD // _BN


def _mm1_body(x_ref, w_ref, d0_ref, d1_ref, o_ref):
    dinv = lax.rsqrt(d0_ref[...] + d1_ref[...] + 1.0)
    h = jnp.dot(x_ref[...], w_ref[...], preferred_element_type=jnp.float32)
    o_ref[...] = h * dinv


def _mm1(x, w1, d0, d1):
    return pl.pallas_call(
        _mm1_body,
        grid=(2, _NB),
        in_specs=[
            pl.BlockSpec((_BN, D_IN), lambda h, i: (i, 0)),
            pl.BlockSpec((D_IN, 128), lambda h, i: (0, h)),
            pl.BlockSpec((_BN, 1), lambda h, i: (i, 0)),
            pl.BlockSpec((_BN, 1), lambda h, i: (i, 0)),
        ],
        out_specs=pl.BlockSpec((_BN, 128), lambda h, i: (h * _NB + i, 0)),
        out_shape=jax.ShapeDtypeStruct((2 * N_PAD, 128), jnp.float32),
    )(x, w1, d0, d1)


def _mm2_body(za_ref, zb_ref, w_ref, b_ref, d0_ref, d1_ref, o_ref):
    dinv = lax.rsqrt(d0_ref[...] + d1_ref[...] + 1.0)
    z = jnp.concatenate([za_ref[...], zb_ref[...]], axis=1)
    h = jnp.maximum(z * dinv + b_ref[...], 0.0)
    h = jnp.dot(h, w_ref[...], preferred_element_type=jnp.float32)
    o_ref[...] = h * dinv


def _mm2(z, w2, b1, d0, d1):
    return pl.pallas_call(
        _mm2_body,
        grid=(2, _NB),
        in_specs=[
            pl.BlockSpec((_BN, 128), lambda h, i: (i, 0)),
            pl.BlockSpec((_BN, 128), lambda h, i: (_NB + i, 0)),
            pl.BlockSpec((D_HID, 128), lambda h, i: (0, h)),
            pl.BlockSpec((1, D_HID), lambda h, i: (0, 0)),
            pl.BlockSpec((_BN, 1), lambda h, i: (i, 0)),
            pl.BlockSpec((_BN, 1), lambda h, i: (i, 0)),
        ],
        out_specs=pl.BlockSpec((_BN, 128), lambda h, i: (h * _NB + i, 0)),
        out_shape=jax.ShapeDtypeStruct((2 * N_PAD, 128), jnp.float32),
    )(z, z, w2, b1, d0, d1)


def _mm3_body(za_ref, zb_ref, w_ref, b2_ref, bo_ref, d0_ref, d1_ref, o_ref):
    dinv = lax.rsqrt(d0_ref[...] + d1_ref[...] + 1.0)
    z = jnp.concatenate([za_ref[...], zb_ref[...]], axis=1)
    h = jnp.maximum(z * dinv + b2_ref[...], 0.0)
    o_ref[...] = jnp.dot(h, w_ref[...],
                         preferred_element_type=jnp.float32) + bo_ref[...]


def _mm3(z, wout, b2, bout, d0, d1):
    return pl.pallas_call(
        _mm3_body,
        grid=(_NB,),
        in_specs=[
            pl.BlockSpec((_BN, 128), lambda i: (i, 0)),
            pl.BlockSpec((_BN, 128), lambda i: (_NB + i, 0)),
            pl.BlockSpec((D_HID, D_OUT), lambda i: (0, 0)),
            pl.BlockSpec((1, D_HID), lambda i: (0, 0)),
            pl.BlockSpec((1, D_OUT), lambda i: (0, 0)),
            pl.BlockSpec((_BN, 1), lambda i: (i, 0)),
            pl.BlockSpec((_BN, 1), lambda i: (i, 0)),
        ],
        out_specs=pl.BlockSpec((_BN, D_OUT), lambda i: (i, 0)),
        out_shape=jax.ShapeDtypeStruct((N_PAD, D_OUT), jnp.float32),
    )(z, z, wout, b2, bout, d0, d1)


@jax.jit
def kernel(x, edge_index, W1, b1, W2, b2, Wout, bout):
    src = edge_index[0].astype(jnp.int32)
    dst = edge_index[1].astype(jnp.int32)

    pad = jnp.full((E_PAD - N_EDGES,), N_PAD - 1, jnp.int32)
    src_p = jnp.concatenate([src, pad]).reshape(EDGE_ROWS, EC)
    dst_p = jnp.concatenate([dst, pad]).reshape(EDGE_ROWS, EC)
    src2 = jnp.concatenate([src_p, src_p + N_PAD], axis=0)

    x_pad = jnp.pad(x, ((0, N_PAD - N_NODES), (0, 0)))
    iota = jnp.arange(128, dtype=jnp.int32).reshape(1, 128)

    deg_p = _deg_kernel(dst_p, iota)
    d0 = deg_p[:128].reshape(-1)[:N_PAD].reshape(N_PAD, 1)
    d1 = deg_p[128:].reshape(-1)[:N_PAD].reshape(N_PAD, 1)

    b1r = b1.reshape(1, D_HID)
    b2r = b2.reshape(1, D_HID)
    boutr = bout.reshape(1, D_OUT)

    hp1 = _mm1(x_pad, W1, d0, d1)
    dst64 = dst_p.reshape(2 * EDGE_ROWS, EC // 2)
    z1 = _agg_kernel(hp1, src2, dst64)
    hp2 = _mm2(z1, W2, b1r, d0, d1)
    z2 = _agg_kernel(hp2, src2, dst64)
    out = _mm3(z2, Wout, b2r, boutr, d0, d1)
    return out[:N_NODES]

# --- scband reference (transcript-rebuilt; emitter-appended) ---
"""Pipeline reference for scband-basic-gnn-7000796693168 (READ-ONLY COPY).

The authoritative reference and input builder live on the scoring server;
editing this copy changes nothing except your own understanding.
"""

import jax, jax.numpy as jnp
import numpy as np

N_NODES = 10000
D_IN = 256
D_HID = 256
D_OUT = 128
N_EDGES = 160000


def _gcn_conv(x, src, dst, W, b, n_nodes):
    # GCNConv: add self-loops, symmetric normalization D^{-1/2}(A+I)D^{-1/2} X W + b
    loop = jnp.arange(n_nodes, dtype=src.dtype)
    src = jnp.concatenate([src, loop])
    dst = jnp.concatenate([dst, loop])
    ew = jnp.ones(src.shape[0], dtype=x.dtype)
    deg = jnp.zeros(n_nodes, dtype=x.dtype).at[dst].add(ew)
    dinv = jnp.where(deg > 0, 1.0 / jnp.sqrt(deg), 0.0)
    norm = dinv[src] * dinv[dst]
    h = x @ W
    msg = h[src] * norm[:, None]
    out = jax.ops.segment_sum(msg, dst, num_segments=n_nodes)
    return out + b


def setup_inputs(seed: int = 0) -> dict:
    key = jax.random.key(seed)
    ks = jax.random.split(key, 8)
    x = jax.random.normal(ks[0], (N_NODES, D_IN), dtype=jnp.float32)
    edge_index = jax.random.randint(ks[1], (2, N_EDGES), 0, N_NODES, dtype=jnp.int64 if jax.config.jax_enable_x64 else jnp.int32)
    s1 = 1.0 / np.sqrt(D_IN)
    s2 = 1.0 / np.sqrt(D_HID)
    W1 = jax.random.uniform(ks[2], (D_IN, D_HID), jnp.float32, -s1, s1)
    b1 = jnp.zeros((D_HID,), jnp.float32)
    W2 = jax.random.uniform(ks[3], (D_HID, D_HID), jnp.float32, -s2, s2)
    b2 = jnp.zeros((D_HID,), jnp.float32)
    Wout = jax.random.uniform(ks[4], (D_HID, D_OUT), jnp.float32, -s2, s2)
    bout = jnp.zeros((D_OUT,), jnp.float32)
    return {"x": x, "edge_index": edge_index, "W1": W1, "b1": b1, "W2": W2, "b2": b2, "Wout": Wout, "bout": bout}


def reference(x, edge_index, W1, b1, W2, b2, Wout, bout):
    src = edge_index[0]
    dst = edge_index[1]
    h = _gcn_conv(x, src, dst, W1, b1, N_NODES)
    h = jax.nn.relu(h)  # GCNLayer activation (dropout=0.0)
    h = _gcn_conv(h, src, dst, W2, b2, N_NODES)
    h = jax.nn.relu(h)
    out = h @ Wout + bout  # output_layer Linear
    return out

if __name__ == "__main__":
    import jax
    _d = setup_inputs()
    print(jax.jit(kernel)(*tuple(_d.values())))

</pallas_src>

<mosaic_0001>
#map = affine_map<(d0, d1) -> (0, 0)>
module attributes {stable_mosaic.version = 14 : i64} {
  func.func @_deg_body(%arg0: i32, %arg1: i32, %arg2: memref<1280x128xi32, #tpu.memory_space<hbm>>, %arg3: memref<1x128xi32, #tpu.memory_space<hbm>>, %arg4: memref<256x128xf32, #tpu.memory_space<hbm>>, %arg5: memref<40x128xi32, #tpu.memory_space<vmem>>, %arg6: memref<128x128xf32, #tpu.memory_space<vmem>>, %arg7: memref<1x128xi32, #tpu.memory_space<vmem>>, %arg8: memref<128x128xf32, #tpu.memory_space<vmem_shared>>) attributes {dimension_semantics = [#tpu.dimension_semantics<core_parallel>, #tpu.dimension_semantics<subcore_parallel>], iteration_bounds = array<i64: 2, 16>, scalar_prefetch = 0 : i64, scratch_operands = 4 : i64, tpu.core_type = #tpu.core_type<sc_vector_subcore>, window_params = [{transform_indices = #map}, {transform_indices = #map}, {transform_indices = #map}]} {
    %broadcast_in_dim3A = arith.constant 0.000000e+00 : f32
    %broadcast_in_dim3A_0 = vector.broadcast %broadcast_in_dim3A : f32 to vector<16xf32>
    %scan3A = arith.constant 0 : i32
    %scan3A_1 = arith.constant 0 : i32
    %scan3A_2 = arith.constant 128 : i32
    %scan3A_3 = arith.addi %scan3A_1, %scan3A_2 : i32
    %scan3A_4 = arith.constant 1 : i32
    %scan3A_5 = scf.for %scan3A_31 = %scan3A_1 to %scan3A_3 step %scan3A_4 iter_args(%scan3A_32 = %scan3A) -> (i32)  : i32 {
      %scan3A_33 = arith.constant 0 : i32
      %scan3A_34 = arith.constant 0 : i32
      %scan3A_35 = arith.constant 8 : i32
      %scan3A_36 = arith.addi %scan3A_34, %scan3A_35 : i32
      %scan3A_37 = arith.constant 1 : i32
      %scan3A_38 = scf.for %scan3A_40 = %scan3A_34 to %scan3A_36 step %scan3A_37 iter_args(%scan3A_41 = %scan3A_33) -> (i32)  : i32 {
        %mul3A_42 = arith.constant 16 : i32
        %mul3A_43 = arith.muli %scan3A_40, %mul3A_42 : i32
        %swap3A = arith.index_cast %scan3A_31 : i32 to index
        %swap3A_44 = arith.index_cast %mul3A_43 : i32 to index
        %swap3A_45 = tpu.vector_load %arg6[%swap3A, %swap3A_44] {strides = array<i32>} : memref<128x128xf32, #tpu.memory_space<vmem>>, vector<16xf32>,
        tpu.vector_store %arg6[%swap3A, %swap3A_44], %broadcast_in_dim3A_0 {strides = array<i32>} : memref<128x128xf32, #tpu.memory_space<vmem>>, vector<16xf32>,
        %scan3A_46 = arith.constant 0 : i32
        scf.yield %scan3A_46 : i32
      }
      %scan3A_39 = arith.constant 8 : i32
      scf.yield %scan3A_38 : i32
    }
    %scan3A_6 = arith.constant 128 : i32
    %mul3A = arith.constant 8 : i32
    %mul3A_7 = arith.muli %arg1, %mul3A : i32
    %mul3A_8 = arith.constant 8 : i32
    %mul3A_9 = arith.muli %arg1, %mul3A_8 : i32
    "tpu.region"() ({
      %run_scoped3A_31 = tpu.sem_alloc : memref<!tpu.dma_semaphore, #tpu.memory_space<semaphore_mem>>
      %dma_start3A = arith.constant 0 : i32
      %dma_start3A_32 = tpu.memref_slice %arg6[%mul3A_7, %dma_start3A] : memref<128x128xf32, #tpu.memory_space<vmem>> -> memref<8x128xf32, #tpu.memory_space<vmem>>
      %dma_start3A_33 = arith.constant 0 : i32
      %dma_start3A_34 = tpu.memref_slice %arg8[%mul3A_9, %dma_start3A_33] : memref<128x128xf32, #tpu.memory_space<vmem_shared>> -> memref<8x128xf32, #tpu.memory_space<vmem_shared>>
      %dma_start3A_35 = arith.constant 0 : i32
      %dma_start3A_36 = tpu.memref_slice %arg8[%mul3A_9, %dma_start3A_35] : memref<128x128xf32, #tpu.memory_space<vmem_shared>> -> memref<8x128xf32, #tpu.memory_space<vmem_shared>>
      %dma_start3A_37 = arith.constant 0 : i32
      %dma_start3A_38 = tpu.memref_slice %arg6[%mul3A_7, %dma_start3A_37] : memref<128x128xf32, #tpu.memory_space<vmem>> -> memref<8x128xf32, #tpu.memory_space<vmem>>
      tpu.enqueue_dma source(%dma_start3A_38 : memref<8x128xf32, #tpu.memory_space<vmem>>) target(%dma_start3A_36 : memref<8x128xf32, #tpu.memory_space<vmem_shared>>) target_semaphore(%run_scoped3A_31 : memref<!tpu.dma_semaphore, #tpu.memory_space<semaphore_mem>>)
      %dma_wait3A = arith.constant 0 : i32
      %dma_wait3A_39 = tpu.memref_slice %arg6[%mul3A_7, %dma_wait3A] : memref<128x128xf32, #tpu.memory_space<vmem>> -> memref<8x128xf32, #tpu.memory_space<vmem>>
      %dma_wait3A_40 = arith.constant 0 : i32
      %dma_wait3A_41 = tpu.memref_slice %arg8[%mul3A_9, %dma_wait3A_40] : memref<128x128xf32, #tpu.memory_space<vmem_shared>> -> memref<8x128xf32, #tpu.memory_space<vmem_shared>>
      %dma_wait3A_42 = arith.constant 0 : i32
      %dma_wait3A_43 = tpu.memref_slice %arg8[%mul3A_9, %dma_wait3A_42] : memref<128x128xf32, #tpu.memory_space<vmem_shared>> -> memref<8x128xf32, #tpu.memory_space<vmem_shared>>
      %dma_wait3A_44 = arith.constant 0 : i32
      %dma_wait3A_45 = tpu.memref_slice %arg6[%mul3A_7, %dma_wait3A_44] : memref<128x128xf32, #tpu.memory_space<vmem>> -> memref<8x128xf32, #tpu.memory_space<vmem>>
      tpu.wait_dma2 semaphore(%run_scoped3A_31 : memref<!tpu.dma_semaphore, #tpu.memory_space<semaphore_mem>>) src(%dma_wait3A_45 : memref<8x128xf32, #tpu.memory_space<vmem>>) dst(%dma_wait3A_43 : memref<8x128xf32, #tpu.memory_space<vmem_shared>>)
      tpu.yield
    }) : () -> ()
    %mul3A_10 = arith.constant 16 : i32
    %mul3A_11 = arith.muli %arg0, %mul3A_10 : i32
    %add3A = arith.addi %mul3A_11, %arg1 : i32
    %mul3A_12 = arith.constant 40 : i32
    %mul3A_13 = arith.muli %add3A, %mul3A_12 : i32
    "tpu.region"() ({
      %run_scoped3A_31 = tpu.sem_alloc : memref<!tpu.dma_semaphore, #tpu.memory_space<semaphore_mem>>
      %dma_start3A = arith.constant 0 : i32
      %dma_start3A_32 = tpu.memref_slice %arg2[%mul3A_13, %dma_start3A] : memref<1280x128xi32, #tpu.memory_space<hbm>> -> memref<40x128xi32, #tpu.memory_space<hbm>>
      %dma_start3A_33 = arith.constant 0 : i32
      %dma_start3A_34 = tpu.memref_slice %arg2[%mul3A_13, %dma_start3A_33] : memref<1280x128xi32, #tpu.memory_space<hbm>> -> memref<40x128xi32, #tpu.memory_space<hbm>>
      tpu.enqueue_dma source(%dma_start3A_34 : memref<40x128xi32, #tpu.memory_space<hbm>>) target(%arg5 : memref<40x128xi32, #tpu.memory_space<vmem>>) target_semaphore(%run_scoped3A_31 : memref<!tpu.dma_semaphore, #tpu.memory_space<semaphore_mem>>)
      %dma_wait3A = arith.constant 0 : i32
      %dma_wait3A_35 = tpu.memref_slice %arg2[%mul3A_13, %dma_wait3A] : memref<1280x128xi32, #tpu.memory_space<hbm>> -> memref<40x128xi32, #tpu.memory_space<hbm>>
      %dma_wait3A_36 = arith.constant 0 : i32
      %dma_wait3A_37 = tpu.memref_slice %arg2[%mul3A_13, %dma_wait3A_36] : memref<1280x128xi32, #tpu.memory_space<hbm>> -> memref<40x128xi32, #tpu.memory_space<hbm>>
      tpu.wait_dma2 semaphore(%run_scoped3A_31 : memref<!tpu.dma_semaphore, #tpu.memory_space<semaphore_mem>>) src(%dma_wait3A_37 : memref<40x128xi32, #tpu.memory_space<hbm>>) dst(%arg5 : memref<40x128xi32, #tpu.memory_space<vmem>>)
      tpu.yield
    }) : () -> ()
    "tpu.region"() ({
      %run_scoped3A_31 = tpu.sem_alloc : memref<!tpu.dma_semaphore, #tpu.memory_space<semaphore_mem>>
      tpu.enqueue_dma source(%arg3 : memref<1x128xi32, #tpu.memory_space<hbm>>) target(%arg7 : memref<1x128xi32, #tpu.memory_space<vmem>>) target_semaphore(%run_scoped3A_31 : memref<!tpu.dma_semaphore, #tpu.memory_space<semaphore_mem>>)
      tpu.wait_dma2 semaphore(%run_scoped3A_31 : memref<!tpu.dma_semaphore, #tpu.memory_space<semaphore_mem>>) src(%arg3 : memref<1x128xi32, #tpu.memory_space<hbm>>) dst(%arg7 : memref<1x128xi32, #tpu.memory_space<vmem>>)
      tpu.yield
    }) : () -> ()
    %broadcast_in_dim3A_14 = arith.constant 1.000000e+00 : f32
    %broadcast_in_dim3A_15 = vector.broadcast %broadcast_in_dim3A_14 : f32 to vector<16xf32>
    %scan3A_16 = arith.constant 0 : i32
    %scan3A_17 = arith.constant 0 : i32
    %scan3A_18 = arith.constant 40 : i32
    %scan3A_19 = arith.addi %scan3A_17, %scan3A_18 : i32
    %scan3A_20 = arith.constant 1 : i32
    %scan3A_21 = scf.for %scan3A_31 = %scan3A_17 to %scan3A_19 step %scan3A_20 iter_args(%scan3A_32 = %scan3A_16) -> (i32)  : i32 {
      %scan3A_33 = arith.constant 0 : i32
      %scan3A_34 = arith.constant 0 : i32
      %scan3A_35 = arith.constant 8 : i32
      %scan3A_36 = arith.addi %scan3A_34, %scan3A_35 : i32
      %scan3A_37 = arith.constant 1 : i32
      %scan3A_38 = scf.for %scan3A_40 = %scan3A_34 to %scan3A_36 step %scan3A_37 iter_args(%scan3A_41 = %scan3A_33) -> (i32)  : i32 {
        %mul3A_42 = arith.constant 16 : i32
        %mul3A_43 = arith.muli %scan3A_40, %mul3A_42 : i32
        %get3A = arith.index_cast %scan3A_31 : i32 to index
        %get3A_44 = arith.index_cast %mul3A_43 : i32 to index
        %get3A_45 = tpu.vector_load %arg5[%get3A, %get3A_44] {strides = array<i32>} : memref<40x128xi32, #tpu.memory_space<vmem>>, vector<16xi32>,
        %shift_right_logical3A = arith.constant 7 : i32
        %shift_right_logical3A_46 = vector.broadcast %shift_right_logical3A : i32 to vector<16xi32>
        %shift_right_logical3A_47 = arith.shrui %get3A_45, %shift_right_logical3A_46 : vector<16xi32>
        %and3A = arith.constant 127 : i32
        %and3A_48 = vector.broadcast %and3A : i32 to vector<16xi32>
        %and3A_49 = arith.andi %get3A_45, %and3A_48 : vector<16xi32>
        tpu.vector_store_idx %arg6[%shift_right_logical3A_47, %and3A_49], %broadcast_in_dim3A_15 {add = true} : memref<128x128xf32, #tpu.memory_space<vmem>>[vector<16xi32>, vector<16xi32>], vector<16xf32>,
        %scan3A_50 = arith.constant 0 : i32
        scf.yield %scan3A_50 : i32
      }
      %scan3A_39 = arith.constant 8 : i32
      scf.yield %scan3A_38 : i32
    }
    %scan3A_22 = arith.constant 40 : i32
    %barrier3A = arith.constant 0 : index
    tpu.barrier barrier_id(%barrier3A)
    %run_scoped3A = arith.constant 0 : i32
    "tpu.region"() ({
      %run_scoped3A_31 = tpu.sem_alloc : memref<!tpu.dma_semaphore, #tpu.memory_space<semaphore_mem>>
      %dma_start3A = arith.constant 0 : i32
      %dma_start3A_32 = tpu.memref_slice %arg7[%run_scoped3A, %dma_start3A] : memref<1x128xi32, #tpu.memory_space<vmem>> -> memref<1x128xi32, #tpu.memory_space<vmem>>
      %dma_start3A_33 = tpu.memref_squeeze %dma_start3A_32 : memref<1x128xi32, #tpu.memory_space<vmem>> -> memref<128xi32, #tpu.memory_space<vmem>>
      %dma_start3A_34 = arith.constant 0 : i32
      %dma_start3A_35 = arith.constant 0 : i32
      %dma_start3A_36 = tpu.memref_slice %arg8[%dma_start3A_34, %dma_start3A_35] : memref<128x128xf32, #tpu.memory_space<vmem_shared>> -> memref<128x128xf32, #tpu.memory_space<vmem_shared>>
      tpu.enqueue_indirect_dma source(%arg6 : memref<128x128xf32, #tpu.memory_space<vmem>>) target(%dma_start3A_36 : memref<128x128xf32, #tpu.memory_space<vmem_shared>>) offsets(%dma_start3A_33 : memref<128xi32, #tpu.memory_space<vmem>>) semaphore(%run_scoped3A_31 : memref<!tpu.dma_semaphore, #tpu.memory_space<semaphore_mem>>) {add = true}
      %dma_wait3A = arith.constant 0 : i32
      %dma_wait3A_37 = tpu.memref_slice %arg7[%run_scoped3A, %dma_wait3A] : memref<1x128xi32, #tpu.memory_space<vmem>> -> memref<1x128xi32, #tpu.memory_space<vmem>>
      %dma_wait3A_38 = tpu.memref_squeeze %dma_wait3A_37 : memref<1x128xi32, #tpu.memory_space<vmem>> -> memref<128xi32, #tpu.memory_space<vmem>>
      %dma_wait3A_39 = arith.constant 0 : i32
      %dma_wait3A_40 = arith.constant 0 : i32
      %dma_wait3A_41 = tpu.memref_slice %arg8[%dma_wait3A_39, %dma_wait3A_40] : memref<128x128xf32, #tpu.memory_space<vmem_shared>> -> memref<128x128xf32, #tpu.memory_space<vmem_shared>>
      tpu.wait_indirect_dma semaphore(%run_scoped3A_31 : memref<!tpu.dma_semaphore, #tpu.memory_space<semaphore_mem>>) src(%arg6 : memref<128x128xf32, #tpu.memory_space<vmem>>) dst(%dma_wait3A_41 : memref<128x128xf32, #tpu.memory_space<vmem_shared>>)
      tpu.yield
    }) : () -> ()
    %barrier3A_23 = arith.constant 0 : index
    tpu.barrier barrier_id(%barrier3A_23)
    %mul3A_24 = arith.constant 8 : i32
    %mul3A_25 = arith.muli %arg1, %mul3A_24 : i32
    %mul3A_26 = arith.constant 128 : i32
    %mul3A_27 = arith.muli %arg0, %mul3A_26 : i32
    %mul3A_28 = arith.constant 8 : i32
    %mul3A_29 = arith.muli %arg1, %mul3A_28 : i32
    %add3A_30 = arith.addi %mul3A_27, %mul3A_29 : i32
    "tpu.region"() ({
      %run_scoped3A_31 = tpu.sem_alloc : memref<!tpu.dma_semaphore, #tpu.memory_space<semaphore_mem>>
      %dma_start3A = arith.constant 0 : i32
      %dma_start3A_32 = tpu.memref_slice %arg4[%add3A_30, %dma_start3A] : memref<256x128xf32, #tpu.memory_space<hbm>> -> memref<8x128xf32, #tpu.memory_space<hbm>>
      %dma_start3A_33 = arith.constant 0 : i32
      %dma_start3A_34 = tpu.memref_slice %arg8[%mul3A_25, %dma_start3A_33] : memref<128x128xf32, #tpu.memory_space<vmem_shared>> -> memref<8x128xf32, #tpu.memory_space<vmem_shared>>
      tpu.enqueue_dma source(%dma_start3A_34 : memref<8x128xf32, #tpu.memory_space<vmem_shared>>) target(%dma_start3A_32 : memref<8x128xf32, #tpu.memory_space<hbm>>) target_semaphore(%run_scoped3A_31 : memref<!tpu.dma_semaphore, #tpu.memory_space<semaphore_mem>>)
      %dma_wait3A = arith.constant 0 : i32
      %dma_wait3A_35 = tpu.memref_slice %arg4[%add3A_30, %dma_wait3A] : memref<256x128xf32, #tpu.memory_space<hbm>> -> memref<8x128xf32, #tpu.memory_space<hbm>>
      %dma_wait3A_36 = arith.constant 0 : i32
      %dma_wait3A_37 = tpu.memref_slice %arg8[%mul3A_25, %dma_wait3A_36] : memref<128x128xf32, #tpu.memory_space<vmem_shared>> -> memref<8x128xf32, #tpu.memory_space<vmem_shared>>
      tpu.wait_dma2 semaphore(%run_scoped3A_31 : memref<!tpu.dma_semaphore, #tpu.memory_space<semaphore_mem>>) src(%dma_wait3A_37 : memref<8x128xf32, #tpu.memory_space<vmem_shared>>) dst(%dma_wait3A_35 : memref<8x128xf32, #tpu.memory_space<hbm>>)
      tpu.yield
    }) : () -> ()
    return
  }
}

#map = affine_map<(d0, d1) -> (0, 0)>
module attributes {stable_mosaic.version = 14 : i64} {
  func.func @_agg_body(%arg0: i32, %arg1: i32, %arg2: memref<20480x128xf32, #tpu.memory_space<hbm>>, %arg3: memref<2560x128xi32, #tpu.memory_space<hbm>>, %arg4: memref<2560x64xi32, #tpu.memory_space<hbm>>, %arg5: memref<20480x128xf32, #tpu.memory_space<hbm>>, %arg6: memref<40x128xi32, #tpu.memory_space<vmem>>, %arg7: memref<80x64xi32, #tpu.memory_space<vmem>>, %arg8: memref<256x128xf32, #tpu.memory_space<vmem>>, %arg9: memref<10240x128xf32, #tpu.memory_space<vmem_shared>>, %arg10: memref<!tpu.dma_semaphore, #tpu.memory_space<semaphore_mem>>, %arg11: memref<!tpu.dma_semaphore, #tpu.memory_space<semaphore_mem>>, %arg12: memref<!tpu.dma_semaphore, #tpu.memory_space<semaphore_mem>>) attributes {dimension_semantics = [#tpu.dimension_semantics<core_parallel>, #tpu.dimension_semantics<subcore_parallel>], iteration_bounds = array<i64: 2, 16>, scalar_prefetch = 0 : i64, scratch_operands = 7 : i64, tpu.core_type = #tpu.core_type<sc_vector_subcore>, window_params = [{transform_indices = #map}, {transform_indices = #map}, {transform_indices = #map}, {transform_indices = #map}]} {
    %mul3A = arith.constant 10240 : i32
    %mul3A_0 = arith.muli %arg0, %mul3A : i32
    %mul3A_1 = arith.constant 640 : i32
    %mul3A_2 = arith.muli %arg1, %mul3A_1 : i32
    %add3A = arith.addi %mul3A_0, %mul3A_2 : i32
    %mul3A_3 = arith.constant 640 : i32
    %mul3A_4 = arith.muli %arg1, %mul3A_3 : i32
    "tpu.region"() ({
      %run_scoped3A = tpu.sem_alloc : memref<!tpu.dma_semaphore, #tpu.memory_space<semaphore_mem>>
      %dma_start3A = arith.constant 0 : i32
      %dma_start3A_23 = tpu.memref_slice %arg9[%mul3A_4, %dma_start3A] : memref<10240x128xf32, #tpu.memory_space<vmem_shared>> -> memref<640x128xf32, #tpu.memory_space<vmem_shared>>
      %dma_start3A_24 = arith.constant 0 : i32
      %dma_start3A_25 = tpu.memref_slice %arg2[%add3A, %dma_start3A_24] : memref<20480x128xf32, #tpu.memory_space<hbm>> -> memref<640x128xf32, #tpu.memory_space<hbm>>
      tpu.enqueue_dma source(%dma_start3A_25 : memref<640x128xf32, #tpu.memory_space<hbm>>) target(%dma_start3A_23 : memref<640x128xf32, #tpu.memory_space<vmem_shared>>) target_semaphore(%run_scoped3A : memref<!tpu.dma_semaphore, #tpu.memory_space<semaphore_mem>>)
      %dma_wait3A = arith.constant 0 : i32
      %dma_wait3A_26 = tpu.memref_slice %arg9[%mul3A_4, %dma_wait3A] : memref<10240x128xf32, #tpu.memory_space<vmem_shared>> -> memref<640x128xf32, #tpu.memory_space<vmem_shared>>
      %dma_wait3A_27 = arith.constant 0 : i32
      %dma_wait3A_28 = tpu.memref_slice %arg2[%add3A, %dma_wait3A_27] : memref<20480x128xf32, #tpu.memory_space<hbm>> -> memref<640x128xf32, #tpu.memory_space<hbm>>
      tpu.wait_dma2 semaphore(%run_scoped3A : memref<!tpu.dma_semaphore, #tpu.memory_space<semaphore_mem>>) src(%dma_wait3A_28 : memref<640x128xf32, #tpu.memory_space<hbm>>) dst(%dma_wait3A_26 : memref<640x128xf32, #tpu.memory_space<vmem_shared>>)
      tpu.yield
    }) : () -> ()
    %barrier3A = arith.constant 0 : index
    tpu.barrier barrier_id(%barrier3A)
    %mul3A_5 = arith.constant 1280 : i32
    %mul3A_6 = arith.muli %arg0, %mul3A_5 : i32
    %mul3A_7 = arith.constant 80 : i32
    %mul3A_8 = arith.muli %arg1, %mul3A_7 : i32
    %add3A_9 = arith.addi %mul3A_6, %mul3A_8 : i32
    %mul3A_10 = arith.constant 2 : i32
    %mul3A_11 = arith.muli %arg1, %mul3A_10 : i32
    %mul3A_12 = arith.constant 80 : i32
    %mul3A_13 = arith.muli %mul3A_11, %mul3A_12 : i32
    %scan3A = arith.constant 0 : i32
    %scan3A_14 = arith.constant 0 : i32
    %scan3A_15 = arith.constant 2 : i32
    %scan3A_16 = arith.addi %scan3A_14, %scan3A_15 : i32
    %scan3A_17 = arith.constant 1 : i32
    %scan3A_18 = scf.for %scan3A_23 = %scan3A_14 to %scan3A_16 step %scan3A_17 iter_args(%scan3A_24 = %scan3A) -> (i32)  : i32 {
      %mul3A_25 = arith.constant 40 : i32
      %mul3A_26 = arith.muli %scan3A_23, %mul3A_25 : i32
      %add3A_27 = arith.addi %add3A_9, %mul3A_26 : i32
      "tpu.region"() ({
        %run_scoped3A = tpu.sem_alloc : memref<!tpu.dma_semaphore, #tpu.memory_space<semaphore_mem>>
        %dma_start3A_58 = arith.constant 0 : i32
        %dma_start3A_59 = tpu.memref_slice %arg3[%add3A_27, %dma_start3A_58] : memref<2560x128xi32, #tpu.memory_space<hbm>> -> memref<40x128xi32, #tpu.memory_space<hbm>>
        %dma_start3A_60 = arith.constant 0 : i32
        %dma_start3A_61 = tpu.memref_slice %arg3[%add3A_27, %dma_start3A_60] : memref<2560x128xi32, #tpu.memory_space<hbm>> -> memref<40x128xi32, #tpu.memory_space<hbm>>
        tpu.enqueue_dma source(%dma_start3A_61 : memref<40x128xi32, #tpu.memory_space<hbm>>) target(%arg6 : memref<40x128xi32, #tpu.memory_space<vmem>>) target_semaphore(%run_scoped3A : memref<!tpu.dma_semaphore, #tpu.memory_space<semaphore_mem>>)
        %dma_wait3A_62 = arith.constant 0 : i32
        %dma_wait3A_63 = tpu.memref_slice %arg3[%add3A_27, %dma_wait3A_62] : memref<2560x128xi32, #tpu.memory_space<hbm>> -> memref<40x128xi32, #tpu.memory_space<hbm>>
        %dma_wait3A_64 = arith.constant 0 : i32
        %dma_wait3A_65 = tpu.memref_slice %arg3[%add3A_27, %dma_wait3A_64] : memref<2560x128xi32, #tpu.memory_space<hbm>> -> memref<40x128xi32, #tpu.memory_space<hbm>>
        tpu.wait_dma2 semaphore(%run_scoped3A : memref<!tpu.dma_semaphore, #tpu.memory_space<semaphore_mem>>) src(%dma_wait3A_65 : memref<40x128xi32, #tpu.memory_space<hbm>>) dst(%arg6 : memref<40x128xi32, #tpu.memory_space<vmem>>)
        tpu.yield
      }) : () -> ()
      %mul3A_28 = arith.constant 2 : i32
      %mul3A_29 = arith.muli %scan3A_23, %mul3A_28 : i32
      %mul3A_30 = arith.constant 40 : i32
      %mul3A_31 = arith.muli %mul3A_29, %mul3A_30 : i32
      %add3A_32 = arith.addi %mul3A_13, %mul3A_31 : i32
      "tpu.region"() ({
        %run_scoped3A = tpu.sem_alloc : memref<!tpu.dma_semaphore, #tpu.memory_space<semaphore_mem>>
        %dma_start3A_58 = arith.constant 0 : i32
        %dma_start3A_59 = tpu.memref_slice %arg4[%add3A_32, %dma_start3A_58] : memref<2560x64xi32, #tpu.memory_space<hbm>> -> memref<80x64xi32, #tpu.memory_space<hbm>>
        %dma_start3A_60 = arith.constant 0 : i32
        %dma_start3A_61 = tpu.memref_slice %arg4[%add3A_32, %dma_start3A_60] : memref<2560x64xi32, #tpu.memory_space<hbm>> -> memref<80x64xi32, #tpu.memory_space<hbm>>
        tpu.enqueue_dma source(%dma_start3A_61 : memref<80x64xi32, #tpu.memory_space<hbm>>) target(%arg7 : memref<80x64xi32, #tpu.memory_space<vmem>>) target_semaphore(%run_scoped3A : memref<!tpu.dma_semaphore, #tpu.memory_space<semaphore_mem>>)
        %dma_wait3A_62 = arith.constant 0 : i32
        %dma_wait3A_63 = tpu.memref_slice %arg4[%add3A_32, %dma_wait3A_62] : memref<2560x64xi32, #tpu.memory_space<hbm>> -> memref<80x64xi32, #tpu.memory_space<hbm>>
        %dma_wait3A_64 = arith.constant 0 : i32
        %dma_wait3A_65 = tpu.memref_slice %arg4[%add3A_32, %dma_wait3A_64] : memref<2560x64xi32, #tpu.memory_space<hbm>> -> memref<80x64xi32, #tpu.memory_space<hbm>>
        tpu.wait_dma2 semaphore(%run_scoped3A : memref<!tpu.dma_semaphore, #tpu.memory_space<semaphore_mem>>) src(%dma_wait3A_65 : memref<80x64xi32, #tpu.memory_space<hbm>>) dst(%arg7 : memref<80x64xi32, #tpu.memory_space<vmem>>)
        tpu.yield
      }) : () -> ()
      %dma_start3A = arith.constant 0 : i32
      %dma_start3A_33 = arith.constant 0 : i32
      %dma_start3A_34 = arith.constant 0 : i32
      %dma_start3A_35 = tpu.memref_slice %arg8[%dma_start3A_33, %dma_start3A_34] : memref<256x128xf32, #tpu.memory_space<vmem>> -> memref<128x128xf32, #tpu.memory_space<vmem>>
      %dma_start3A_36 = arith.constant 0 : i32
      %dma_start3A_37 = tpu.memref_slice %arg6[%dma_start3A, %dma_start3A_36] : memref<40x128xi32, #tpu.memory_space<vmem>> -> memref<1x128xi32, #tpu.memory_space<vmem>>
      %dma_start3A_38 = tpu.memref_squeeze %dma_start3A_37 : memref<1x128xi32, #tpu.memory_space<vmem>> -> memref<128xi32, #tpu.memory_space<vmem>>
      %dma_start3A_39 = arith.constant 0 : i32
      %dma_start3A_40 = arith.constant 0 : i32
      %dma_start3A_41 = tpu.memref_slice %arg2[%dma_start3A_39, %dma_start3A_40] : memref<20480x128xf32, #tpu.memory_space<hbm>> -> memref<20480x128xf32, #tpu.memory_space<hbm>>
      tpu.enqueue_indirect_dma source(%dma_start3A_41 : memref<20480x128xf32, #tpu.memory_space<hbm>>) target(%dma_start3A_35 : memref<128x128xf32, #tpu.memory_space<vmem>>) offsets(%dma_start3A_38 : memref<128xi32, #tpu.memory_space<vmem>>) semaphore(%arg10 : memref<!tpu.dma_semaphore, #tpu.memory_space<semaphore_mem>>)
      %dma_wait3A = arith.constant 0 : i32
      %dma_wait3A_42 = arith.constant 0 : i32
      %dma_wait3A_43 = arith.constant 0 : i32
      %dma_wait3A_44 = tpu.memref_slice %arg8[%dma_wait3A_42, %dma_wait3A_43] : memref<256x128xf32, #tpu.memory_space<vmem>> -> memref<128x128xf32, #tpu.memory_space<vmem>>
      %dma_wait3A_45 = arith.constant 0 : i32
      %dma_wait3A_46 = tpu.memref_slice %arg6[%dma_wait3A, %dma_wait3A_45] : memref<40x128xi32, #tpu.memory_space<vmem>> -> memref<1x128xi32, #tpu.memory_space<vmem>>
      %dma_wait3A_47 = tpu.memref_squeeze %dma_wait3A_46 : memref<1x128xi32, #tpu.memory_space<vmem>> -> memref<128xi32, #tpu.memory_space<vmem>>
      %dma_wait3A_48 = arith.constant 0 : i32
      %dma_wait3A_49 = arith.constant 0 : i32
      %dma_wait3A_50 = tpu.memref_slice %arg2[%dma_wait3A_48, %dma_wait3A_49] : memref<20480x128xf32, #tpu.memory_space<hbm>> -> memref<20480x128xf32, #tpu.memory_space<hbm>>
      tpu.wait_indirect_dma semaphore(%arg10 : memref<!tpu.dma_semaphore, #tpu.memory_space<semaphore_mem>>) src(%dma_wait3A_50 : memref<20480x128xf32, #tpu.memory_space<hbm>>) dst(%dma_wait3A_44 : memref<128x128xf32, #tpu.memory_space<vmem>>)
      %scan3A_51 = arith.constant 0 : i32
      %scan3A_52 = arith.constant 0 : i32
      %scan3A_53 = arith.constant 40 : i32
      %scan3A_54 = arith.addi %scan3A_52, %scan3A_53 : i32
      %scan3A_55 = arith.constant 1 : i32
      %scan3A_56 = scf.for %scan3A_58 = %scan3A_52 to %scan3A_54 step %scan3A_55 iter_args(%scan3A_59 = %scan3A_51) -> (i32)  : i32 {
        %jit3A = arith.constant 2 : i32
        %eq3A = arith.constant 0 : i32
        %eq3A_60 = arith.cmpi eq, %jit3A, %eq3A : i32
        %jit3A_61 = arith.constant 1 : i32
        %select_n3A = arith.select %eq3A_60, %jit3A_61, %jit3A : i32
        %rem3A = arith.remsi %scan3A_58, %select_n3A : i32
        %ne3A = arith.constant 0 : i32
        %ne3A_62 = arith.cmpi ne, %rem3A, %ne3A : i32
        %lt3A = arith.constant 0 : i32
        %lt3A_63 = arith.cmpi slt, %rem3A, %lt3A : i32
        %lt3A_64 = arith.constant 0 : i32
        %lt3A_65 = arith.cmpi slt, %select_n3A, %lt3A_64 : i32
        %ne3A_66 = arith.xori %lt3A_63, %lt3A_65 : i1
        %and3A = arith.andi %ne3A_66, %ne3A_62 : i1
        %add3A_67 = arith.addi %rem3A, %select_n3A : i32
        %select_n3A_68 = arith.select %and3A, %add3A_67, %rem3A : i32
        %mul3A_69 = arith.constant 128 : i32
        %mul3A_70 = arith.muli %select_n3A_68, %mul3A_69 : i32
        %sub3A = arith.constant 128 : i32
        %sub3A_71 = arith.subi %sub3A, %mul3A_70 : i32
        %add3A_72 = arith.constant 1 : i32
        %add3A_73 = arith.addi %scan3A_58, %add3A_72 : i32
        %rem3A_74 = arith.constant 40 : i32
        %rem3A_75 = arith.remsi %add3A_73, %rem3A_74 : i32
        %dma_start3A_76 = arith.constant 0 : i32
        %dma_start3A_77 = tpu.memref_slice %arg8[%sub3A_71, %dma_start3A_76] : memref<256x128xf32, #tpu.memory_space<vmem>> -> memref<128x128xf32, #tpu.memory_space<vmem>>
        %dma_start3A_78 = arith.constant 0 : i32
        %dma_start3A_79 = tpu.memref_slice %arg6[%rem3A_75, %dma_start3A_78] : memref<40x128xi32, #tpu.memory_space<vmem>> -> memref<1x128xi32, #tpu.memory_space<vmem>>
        %dma_start3A_80 = tpu.memref_squeeze %dma_start3A_79 : memref<1x128xi32, #tpu.memory_space<vmem>> -> memref<128xi32, #tpu.memory_space<vmem>>
        %dma_start3A_81 = arith.constant 0 : i32
        %dma_start3A_82 = arith.constant 0 : i32
        %dma_start3A_83 = tpu.memref_slice %arg2[%dma_start3A_81, %dma_start3A_82] : memref<20480x128xf32, #tpu.memory_space<hbm>> -> memref<20480x128xf32, #tpu.memory_space<hbm>>
        tpu.enqueue_indirect_dma source(%dma_start3A_83 : memref<20480x128xf32, #tpu.memory_space<hbm>>) target(%dma_start3A_77 : memref<128x128xf32, #tpu.memory_space<vmem>>) offsets(%dma_start3A_80 : memref<128xi32, #tpu.memory_space<vmem>>) semaphore(%arg10 : memref<!tpu.dma_semaphore, #tpu.memory_space<semaphore_mem>>)
        %mul3A_84 = arith.constant 2 : i32
        %mul3A_85 = arith.muli %mul3A_84, %scan3A_58 : i32
        %dma_start3A_86 = arith.constant 0 : i32
        %dma_start3A_87 = tpu.memref_slice %arg8[%mul3A_70, %dma_start3A_86] : memref<256x128xf32, #tpu.memory_space<vmem>> -> memref<64x128xf32, #tpu.memory_space<vmem>>
        %dma_start3A_88 = arith.constant 0 : i32
        %dma_start3A_89 = tpu.memref_slice %arg7[%mul3A_85, %dma_start3A_88] : memref<80x64xi32, #tpu.memory_space<vmem>> -> memref<1x64xi32, #tpu.memory_space<vmem>>
        %dma_start3A_90 = tpu.memref_squeeze %dma_start3A_89 : memref<1x64xi32, #tpu.memory_space<vmem>> -> memref<64xi32, #tpu.memory_space<vmem>>
        %dma_start3A_91 = arith.constant 0 : i32
        %dma_start3A_92 = arith.constant 0 : i32
        %dma_start3A_93 = tpu.memref_slice %arg9[%dma_start3A_91, %dma_start3A_92] : memref<10240x128xf32, #tpu.memory_space<vmem_shared>> -> memref<10240x128xf32, #tpu.memory_space<vmem_shared>>
        tpu.enqueue_indirect_dma source(%dma_start3A_87 : memref<64x128xf32, #tpu.memory_space<vmem>>) target(%dma_start3A_93 : memref<10240x128xf32, #tpu.memory_space<vmem_shared>>) offsets(%dma_start3A_90 : memref<64xi32, #tpu.memory_space<vmem>>) semaphore(%arg11 : memref<!tpu.dma_semaphore, #tpu.memory_space<semaphore_mem>>) {add = true}
        %add3A_94 = arith.constant 64 : i32
        %add3A_95 = arith.addi %mul3A_70, %add3A_94 : i32
        %mul3A_96 = arith.constant 2 : i32
        %mul3A_97 = arith.muli %mul3A_96, %scan3A_58 : i32
        %add3A_98 = arith.constant 1 : i32
        %add3A_99 = arith.addi %mul3A_97, %add3A_98 : i32
        %dma_start3A_100 = arith.constant 0 : i32
        %dma_start3A_101 = tpu.memref_slice %arg8[%add3A_95, %dma_start3A_100] : memref<256x128xf32, #tpu.memory_space<vmem>> -> memref<64x128xf32, #tpu.memory_space<vmem>>
        %dma_start3A_102 = arith.constant 0 : i32
        %dma_start3A_103 = tpu.memref_slice %arg7[%add3A_99, %dma_start3A_102] : memref<80x64xi32, #tpu.memory_space<vmem>> -> memref<1x64xi32, #tpu.memory_space<vmem>>
        %dma_start3A_104 = tpu.memref_squeeze %dma_start3A_103 : memref<1x64xi32, #tpu.memory_space<vmem>> -> memref<64xi32, #tpu.memory_space<vmem>>
        %dma_start3A_105 = arith.constant 0 : i32
        %dma_start3A_106 = arith.constant 0 : i32
        %dma_start3A_107 = tpu.memref_slice %arg9[%dma_start3A_105, %dma_start3A_106] : memref<10240x128xf32, #tpu.memory_space<vmem_shared>> -> memref<10240x128xf32, #tpu.memory_space<vmem_shared>>
        tpu.enqueue_indirect_dma source(%dma_start3A_101 : memref<64x128xf32, #tpu.memory_space<vmem>>) target(%dma_start3A_107 : memref<10240x128xf32, #tpu.memory_space<vmem_shared>>) offsets(%dma_start3A_104 : memref<64xi32, #tpu.memory_space<vmem>>) semaphore(%arg12 : memref<!tpu.dma_semaphore, #tpu.memory_space<semaphore_mem>>) {add = true}
        %dma_wait3A_108 = arith.constant 0 : i32
        %dma_wait3A_109 = tpu.memref_slice %arg8[%mul3A_70, %dma_wait3A_108] : memref<256x128xf32, #tpu.memory_space<vmem>> -> memref<64x128xf32, #tpu.memory_space<vmem>>
        %dma_wait3A_110 = arith.constant 0 : i32
        %dma_wait3A_111 = tpu.memref_slice %arg7[%mul3A_85, %dma_wait3A_110] : memref<80x64xi32, #tpu.memory_space<vmem>> -> memref<1x64xi32, #tpu.memory_space<vmem>>
        %dma_wait3A_112 = tpu.memref_squeeze %dma_wait3A_111 : memref<1x64xi32, #tpu.memory_space<vmem>> -> memref<64xi32, #tpu.memory_space<vmem>>
        %dma_wait3A_113 = arith.constant 0 : i32
        %dma_wait3A_114 = arith.constant 0 : i32
        %dma_wait3A_115 = tpu.memref_slice %arg9[%dma_wait3A_113, %dma_wait3A_114] : memref<10240x128xf32, #tpu.memory_space<vmem_shared>> -> memref<10240x128xf32, #tpu.memory_space<vmem_shared>>
        tpu.wait_indirect_dma semaphore(%arg11 : memref<!tpu.dma_semaphore, #tpu.memory_space<semaphore_mem>>) src(%dma_wait3A_109 : memref<64x128xf32, #tpu.memory_space<vmem>>) dst(%dma_wait3A_115 : memref<10240x128xf32, #tpu.memory_space<vmem_shared>>)
        %dma_wait3A_116 = arith.constant 0 : i32
        %dma_wait3A_117 = tpu.memref_slice %arg8[%add3A_95, %dma_wait3A_116] : memref<256x128xf32, #tpu.memory_space<vmem>> -> memref<64x128xf32, #tpu.memory_space<vmem>>
        %dma_wait3A_118 = arith.constant 0 : i32
        %dma_wait3A_119 = tpu.memref_slice %arg7[%add3A_99, %dma_wait3A_118] : memref<80x64xi32, #tpu.memory_space<vmem>> -> memref<1x64xi32, #tpu.memory_space<vmem>>
        %dma_wait3A_120 = tpu.memref_squeeze %dma_wait3A_119 : memref<1x64xi32, #tpu.memory_space<vmem>> -> memref<64xi32, #tpu.memory_space<vmem>>
        %dma_wait3A_121 = arith.constant 0 : i32
        %dma_wait3A_122 = arith.constant 0 : i32
        %dma_wait3A_123 = tpu.memref_slice %arg9[%dma_wait3A_121, %dma_wait3A_122] : memref<10240x128xf32, #tpu.memory_space<vmem_shared>> -> memref<10240x128xf32, #tpu.memory_space<vmem_shared>>
        tpu.wait_indirect_dma semaphore(%arg12 : memref<!tpu.dma_semaphore, #tpu.memory_space<semaphore_mem>>) src(%dma_wait3A_117 : memref<64x128xf32, #tpu.memory_space<vmem>>) dst(%dma_wait3A_123 : memref<10240x128xf32, #tpu.memory_space<vmem_shared>>)
        %dma_wait3A_124 = arith.constant 0 : i32
        %dma_wait3A_125 = tpu.memref_slice %arg8[%sub3A_71, %dma_wait3A_124] : memref<256x128xf32, #tpu.memory_space<vmem>> -> memref<128x128xf32, #tpu.memory_space<vmem>>
        %dma_wait3A_126 = arith.constant 0 : i32
        %dma_wait3A_127 = tpu.memref_slice %arg6[%rem3A_75, %dma_wait3A_126] : memref<40x128xi32, #tpu.memory_space<vmem>> -> memref<1x128xi32, #tpu.memory_space<vmem>>
        %dma_wait3A_128 = tpu.memref_squeeze %dma_wait3A_127 : memref<1x128xi32, #tpu.memory_space<vmem>> -> memref<128xi32, #tpu.memory_space<vmem>>
        %dma_wait3A_129 = arith.constant 0 : i32
        %dma_wait3A_130 = arith.constant 0 : i32
        %dma_wait3A_131 = tpu.memref_slice %arg2[%dma_wait3A_129, %dma_wait3A_130] : memref<20480x128xf32, #tpu.memory_space<hbm>> -> memref<20480x128xf32, #tpu.memory_space<hbm>>
        tpu.wait_indirect_dma semaphore(%arg10 : memref<!tpu.dma_semaphore, #tpu.memory_space<semaphore_mem>>) src(%dma_wait3A_131 : memref<20480x128xf32, #tpu.memory_space<hbm>>) dst(%dma_wait3A_125 : memref<128x128xf32, #tpu.memory_space<vmem>>)
        %scan3A_132 = arith.constant 0 : i32
        scf.yield %scan3A_132 : i32
      }
      %scan3A_57 = arith.constant 40 : i32
      scf.yield %scan3A_56 : i32
    }
    %scan3A_19 = arith.constant 2 : i32
    %barrier3A_20 = arith.constant 0 : index
    tpu.barrier barrier_id(%barrier3A_20)
    %mul3A_21 = arith.constant 640 : i32
    %mul3A_22 = arith.muli %arg1, %mul3A_21 : i32
    "tpu.region"() ({
      %run_scoped3A = tpu.sem_alloc : memref<!tpu.dma_semaphore, #tpu.memory_space<semaphore_mem>>
      %dma_start3A = arith.constant 0 : i32
      %dma_start3A_23 = tpu.memref_slice %arg5[%add3A, %dma_start3A] : memref<20480x128xf32, #tpu.memory_space<hbm>> -> memref<640x128xf32, #tpu.memory_space<hbm>>
      %dma_start3A_24 = arith.constant 0 : i32
      %dma_start3A_25 = tpu.memref_slice %arg9[%mul3A_22, %dma_start3A_24] : memref<10240x128xf32, #tpu.memory_space<vmem_shared>> -> memref<640x128xf32, #tpu.memory_space<vmem_shared>>
      tpu.enqueue_dma source(%dma_start3A_25 : memref<640x128xf32, #tpu.memory_space<vmem_shared>>) target(%dma_start3A_23 : memref<640x128xf32, #tpu.memory_space<hbm>>) target_semaphore(%run_scoped3A : memref<!tpu.dma_semaphore, #tpu.memory_space<semaphore_mem>>)
      %dma_wait3A = arith.constant 0 : i32
      %dma_wait3A_26 = tpu.memref_slice %arg5[%add3A, %dma_wait3A] : memref<20480x128xf32, #tpu.memory_space<hbm>> -> memref<640x128xf32, #tpu.memory_space<hbm>>
      %dma_wait3A_27 = arith.constant 0 : i32
      %dma_wait3A_28 = tpu.memref_slice %arg9[%mul3A_22, %dma_wait3A_27] : memref<10240x128xf32, #tpu.memory_space<vmem_shared>> -> memref<640x128xf32, #tpu.memory_space<vmem_shared>>
      tpu.wait_dma2 semaphore(%run_scoped3A : memref<!tpu.dma_semaphore, #tpu.memory_space<semaphore_mem>>) src(%dma_wait3A_28 : memref<640x128xf32, #tpu.memory_space<vmem_shared>>) dst(%dma_wait3A_26 : memref<640x128xf32, #tpu.memory_space<hbm>>)
      tpu.yield
    }) : () -> ()
    return
  }
}

#map = affine_map<(d0, d1) -> (0, 0)>
module attributes {stable_mosaic.version = 14 : i64} {
  func.func @_agg_body(%arg0: i32, %arg1: i32, %arg2: memref<20480x128xf32, #tpu.memory_space<hbm>>, %arg3: memref<2560x128xi32, #tpu.memory_space<hbm>>, %arg4: memref<2560x64xi32, #tpu.memory_space<hbm>>, %arg5: memref<20480x128xf32, #tpu.memory_space<hbm>>, %arg6: memref<40x128xi32, #tpu.memory_space<vmem>>, %arg7: memref<80x64xi32, #tpu.memory_space<vmem>>, %arg8: memref<256x128xf32, #tpu.memory_space<vmem>>, %arg9: memref<10240x128xf32, #tpu.memory_space<vmem_shared>>, %arg10: memref<!tpu.dma_semaphore, #tpu.memory_space<semaphore_mem>>, %arg11: memref<!tpu.dma_semaphore, #tpu.memory_space<semaphore_mem>>, %arg12: memref<!tpu.dma_semaphore, #tpu.memory_space<semaphore_mem>>) attributes {dimension_semantics = [#tpu.dimension_semantics<core_parallel>, #tpu.dimension_semantics<subcore_parallel>], iteration_bounds = array<i64: 2, 16>, scalar_prefetch = 0 : i64, scratch_operands = 7 : i64, tpu.core_type = #tpu.core_type<sc_vector_subcore>, window_params = [{transform_indices = #map}, {transform_indices = #map}, {transform_indices = #map}, {transform_indices = #map}]} {
    %mul3A = arith.constant 10240 : i32
    %mul3A_0 = arith.muli %arg0, %mul3A : i32
    %mul3A_1 = arith.constant 640 : i32
    %mul3A_2 = arith.muli %arg1, %mul3A_1 : i32
    %add3A = arith.addi %mul3A_0, %mul3A_2 : i32
    %mul3A_3 = arith.constant 640 : i32
    %mul3A_4 = arith.muli %arg1, %mul3A_3 : i32
    "tpu.region"() ({
      %run_scoped3A = tpu.sem_alloc : memref<!tpu.dma_semaphore, #tpu.memory_space<semaphore_mem>>
      %dma_start3A = arith.constant 0 : i32
      %dma_start3A_23 = tpu.memref_slice %arg9[%mul3A_4, %dma_start3A] : memref<10240x128xf32, #tpu.memory_space<vmem_shared>> -> memref<640x128xf32, #tpu.memory_space<vmem_shared>>
      %dma_start3A_24 = arith.constant 0 : i32
      %dma_start3A_25 = tpu.memref_slice %arg2[%add3A, %dma_start3A_24] : memref<20480x128xf32, #tpu.memory_space<hbm>> -> memref<640x128xf32, #tpu.memory_space<hbm>>
      tpu.enqueue_dma source(%dma_start3A_25 : memref<640x128xf32, #tpu.memory_space<hbm>>) target(%dma_start3A_23 : memref<640x128xf32, #tpu.memory_space<vmem_shared>>) target_semaphore(%run_scoped3A : memref<!tpu.dma_semaphore, #tpu.memory_space<semaphore_mem>>)
      %dma_wait3A = arith.constant 0 : i32
      %dma_wait3A_26 = tpu.memref_slice %arg9[%mul3A_4, %dma_wait3A] : memref<10240x128xf32, #tpu.memory_space<vmem_shared>> -> memref<640x128xf32, #tpu.memory_space<vmem_shared>>
      %dma_wait3A_27 = arith.constant 0 : i32
      %dma_wait3A_28 = tpu.memref_slice %arg2[%add3A, %dma_wait3A_27] : memref<20480x128xf32, #tpu.memory_space<hbm>> -> memref<640x128xf32, #tpu.memory_space<hbm>>
      tpu.wait_dma2 semaphore(%run_scoped3A : memref<!tpu.dma_semaphore, #tpu.memory_space<semaphore_mem>>) src(%dma_wait3A_28 : memref<640x128xf32, #tpu.memory_space<hbm>>) dst(%dma_wait3A_26 : memref<640x128xf32, #tpu.memory_space<vmem_shared>>)
      tpu.yield
    }) : () -> ()
    %barrier3A = arith.constant 0 : index
    tpu.barrier barrier_id(%barrier3A)
    %mul3A_5 = arith.constant 1280 : i32
    %mul3A_6 = arith.muli %arg0, %mul3A_5 : i32
    %mul3A_7 = arith.constant 80 : i32
    %mul3A_8 = arith.muli %arg1, %mul3A_7 : i32
    %add3A_9 = arith.addi %mul3A_6, %mul3A_8 : i32
    %mul3A_10 = arith.constant 2 : i32
    %mul3A_11 = arith.muli %arg1, %mul3A_10 : i32
    %mul3A_12 = arith.constant 80 : i32
    %mul3A_13 = arith.muli %mul3A_11, %mul3A_12 : i32
    %scan3A = arith.constant 0 : i32
    %scan3A_14 = arith.constant 0 : i32
    %scan3A_15 = arith.constant 2 : i32
    %scan3A_16 = arith.addi %scan3A_14, %scan3A_15 : i32
    %scan3A_17 = arith.constant 1 : i32
    %scan3A_18 = scf.for %scan3A_23 = %scan3A_14 to %scan3A_16 step %scan3A_17 iter_args(%scan3A_24 = %scan3A) -> (i32)  : i32 {
      %mul3A_25 = arith.constant 40 : i32
      %mul3A_26 = arith.muli %scan3A_23, %mul3A_25 : i32
      %add3A_27 = arith.addi %add3A_9, %mul3A_26 : i32
      "tpu.region"() ({
        %run_scoped3A = tpu.sem_alloc : memref<!tpu.dma_semaphore, #tpu.memory_space<semaphore_mem>>
        %dma_start3A_58 = arith.constant 0 : i32
        %dma_start3A_59 = tpu.memref_slice %arg3[%add3A_27, %dma_start3A_58] : memref<2560x128xi32, #tpu.memory_space<hbm>> -> memref<40x128xi32, #tpu.memory_space<hbm>>
        %dma_start3A_60 = arith.constant 0 : i32
        %dma_start3A_61 = tpu.memref_slice %arg3[%add3A_27, %dma_start3A_60] : memref<2560x128xi32, #tpu.memory_space<hbm>> -> memref<40x128xi32, #tpu.memory_space<hbm>>
        tpu.enqueue_dma source(%dma_start3A_61 : memref<40x128xi32, #tpu.memory_space<hbm>>) target(%arg6 : memref<40x128xi32, #tpu.memory_space<vmem>>) target_semaphore(%run_scoped3A : memref<!tpu.dma_semaphore, #tpu.memory_space<semaphore_mem>>)
        %dma_wait3A_62 = arith.constant 0 : i32
        %dma_wait3A_63 = tpu.memref_slice %arg3[%add3A_27, %dma_wait3A_62] : memref<2560x128xi32, #tpu.memory_space<hbm>> -> memref<40x128xi32, #tpu.memory_space<hbm>>
        %dma_wait3A_64 = arith.constant 0 : i32
        %dma_wait3A_65 = tpu.memref_slice %arg3[%add3A_27, %dma_wait3A_64] : memref<2560x128xi32, #tpu.memory_space<hbm>> -> memref<40x128xi32, #tpu.memory_space<hbm>>
        tpu.wait_dma2 semaphore(%run_scoped3A : memref<!tpu.dma_semaphore, #tpu.memory_space<semaphore_mem>>) src(%dma_wait3A_65 : memref<40x128xi32, #tpu.memory_space<hbm>>) dst(%arg6 : memref<40x128xi32, #tpu.memory_space<vmem>>)
        tpu.yield
      }) : () -> ()
      %mul3A_28 = arith.constant 2 : i32
      %mul3A_29 = arith.muli %scan3A_23, %mul3A_28 : i32
      %mul3A_30 = arith.constant 40 : i32
      %mul3A_31 = arith.muli %mul3A_29, %mul3A_30 : i32
      %add3A_32 = arith.addi %mul3A_13, %mul3A_31 : i32
      "tpu.region"() ({
        %run_scoped3A = tpu.sem_alloc : memref<!tpu.dma_semaphore, #tpu.memory_space<semaphore_mem>>
        %dma_start3A_58 = arith.constant 0 : i32
        %dma_start3A_59 = tpu.memref_slice %arg4[%add3A_32, %dma_start3A_58] : memref<2560x64xi32, #tpu.memory_space<hbm>> -> memref<80x64xi32, #tpu.memory_space<hbm>>
        %dma_start3A_60 = arith.constant 0 : i32
        %dma_start3A_61 = tpu.memref_slice %arg4[%add3A_32, %dma_start3A_60] : memref<2560x64xi32, #tpu.memory_space<hbm>> -> memref<80x64xi32, #tpu.memory_space<hbm>>
        tpu.enqueue_dma source(%dma_start3A_61 : memref<80x64xi32, #tpu.memory_space<hbm>>) target(%arg7 : memref<80x64xi32, #tpu.memory_space<vmem>>) target_semaphore(%run_scoped3A : memref<!tpu.dma_semaphore, #tpu.memory_space<semaphore_mem>>)
        %dma_wait3A_62 = arith.constant 0 : i32
        %dma_wait3A_63 = tpu.memref_slice %arg4[%add3A_32, %dma_wait3A_62] : memref<2560x64xi32, #tpu.memory_space<hbm>> -> memref<80x64xi32, #tpu.memory_space<hbm>>
        %dma_wait3A_64 = arith.constant 0 : i32
        %dma_wait3A_65 = tpu.memref_slice %arg4[%add3A_32, %dma_wait3A_64] : memref<2560x64xi32, #tpu.memory_space<hbm>> -> memref<80x64xi32, #tpu.memory_space<hbm>>
        tpu.wait_dma2 semaphore(%run_scoped3A : memref<!tpu.dma_semaphore, #tpu.memory_space<semaphore_mem>>) src(%dma_wait3A_65 : memref<80x64xi32, #tpu.memory_space<hbm>>) dst(%arg7 : memref<80x64xi32, #tpu.memory_space<vmem>>)
        tpu.yield
      }) : () -> ()
      %dma_start3A = arith.constant 0 : i32
      %dma_start3A_33 = arith.constant 0 : i32
      %dma_start3A_34 = arith.constant 0 : i32
      %dma_start3A_35 = tpu.memref_slice %arg8[%dma_start3A_33, %dma_start3A_34] : memref<256x128xf32, #tpu.memory_space<vmem>> -> memref<128x128xf32, #tpu.memory_space<vmem>>
      %dma_start3A_36 = arith.constant 0 : i32
      %dma_start3A_37 = tpu.memref_slice %arg6[%dma_start3A, %dma_start3A_36] : memref<40x128xi32, #tpu.memory_space<vmem>> -> memref<1x128xi32, #tpu.memory_space<vmem>>
      %dma_start3A_38 = tpu.memref_squeeze %dma_start3A_37 : memref<1x128xi32, #tpu.memory_space<vmem>> -> memref<128xi32, #tpu.memory_space<vmem>>
      %dma_start3A_39 = arith.constant 0 : i32
      %dma_start3A_40 = arith.constant 0 : i32
      %dma_start3A_41 = tpu.memref_slice %arg2[%dma_start3A_39, %dma_start3A_40] : memref<20480x128xf32, #tpu.memory_space<hbm>> -> memref<20480x128xf32, #tpu.memory_space<hbm>>
      tpu.enqueue_indirect_dma source(%dma_start3A_41 : memref<20480x128xf32, #tpu.memory_space<hbm>>) target(%dma_start3A_35 : memref<128x128xf32, #tpu.memory_space<vmem>>) offsets(%dma_start3A_38 : memref<128xi32, #tpu.memory_space<vmem>>) semaphore(%arg10 : memref<!tpu.dma_semaphore, #tpu.memory_space<semaphore_mem>>)
      %dma_wait3A = arith.constant 0 : i32
      %dma_wait3A_42 = arith.constant 0 : i32
      %dma_wait3A_43 = arith.constant 0 : i32
      %dma_wait3A_44 = tpu.memref_slice %arg8[%dma_wait3A_42, %dma_wait3A_43] : memref<256x128xf32, #tpu.memory_space<vmem>> -> memref<128x128xf32, #tpu.memory_space<vmem>>
      %dma_wait3A_45 = arith.constant 0 : i32
      %dma_wait3A_46 = tpu.memref_slice %arg6[%dma_wait3A, %dma_wait3A_45] : memref<40x128xi32, #tpu.memory_space<vmem>> -> memref<1x128xi32, #tpu.memory_space<vmem>>
      %dma_wait3A_47 = tpu.memref_squeeze %dma_wait3A_46 : memref<1x128xi32, #tpu.memory_space<vmem>> -> memref<128xi32, #tpu.memory_space<vmem>>
      %dma_wait3A_48 = arith.constant 0 : i32
      %dma_wait3A_49 = arith.constant 0 : i32
      %dma_wait3A_50 = tpu.memref_slice %arg2[%dma_wait3A_48, %dma_wait3A_49] : memref<20480x128xf32, #tpu.memory_space<hbm>> -> memref<20480x128xf32, #tpu.memory_space<hbm>>
      tpu.wait_indirect_dma semaphore(%arg10 : memref<!tpu.dma_semaphore, #tpu.memory_space<semaphore_mem>>) src(%dma_wait3A_50 : memref<20480x128xf32, #tpu.memory_space<hbm>>) dst(%dma_wait3A_44 : memref<128x128xf32, #tpu.memory_space<vmem>>)
      %scan3A_51 = arith.constant 0 : i32
      %scan3A_52 = arith.constant 0 : i32
      %scan3A_53 = arith.constant 40 : i32
      %scan3A_54 = arith.addi %scan3A_52, %scan3A_53 : i32
      %scan3A_55 = arith.constant 1 : i32
      %scan3A_56 = scf.for %scan3A_58 = %scan3A_52 to %scan3A_54 step %scan3A_55 iter_args(%scan3A_59 = %scan3A_51) -> (i32)  : i32 {
        %jit3A = arith.constant 2 : i32
        %eq3A = arith.constant 0 : i32
        %eq3A_60 = arith.cmpi eq, %jit3A, %eq3A : i32
        %jit3A_61 = arith.constant 1 : i32
        %select_n3A = arith.select %eq3A_60, %jit3A_61, %jit3A : i32
        %rem3A = arith.remsi %scan3A_58, %select_n3A : i32
        %ne3A = arith.constant 0 : i32
        %ne3A_62 = arith.cmpi ne, %rem3A, %ne3A : i32
        %lt3A = arith.constant 0 : i32
        %lt3A_63 = arith.cmpi slt, %rem3A, %lt3A : i32
        %lt3A_64 = arith.constant 0 : i32
        %lt3A_65 = arith.cmpi slt, %select_n3A, %lt3A_64 : i32
        %ne3A_66 = arith.xori %lt3A_63, %lt3A_65 : i1
        %and3A = arith.andi %ne3A_66, %ne3A_62 : i1
        %add3A_67 = arith.addi %rem3A, %select_n3A : i32
        %select_n3A_68 = arith.select %and3A, %add3A_67, %rem3A : i32
        %mul3A_69 = arith.constant 128 : i32
        %mul3A_70 = arith.muli %select_n3A_68, %mul3A_69 : i32
        %sub3A = arith.constant 128 : i32
        %sub3A_71 = arith.subi %sub3A, %mul3A_70 : i32
        %add3A_72 = arith.constant 1 : i32
        %add3A_73 = arith.addi %scan3A_58, %add3A_72 : i32
        %rem3A_74 = arith.constant 40 : i32
        %rem3A_75 = arith.remsi %add3A_73, %rem3A_74 : i32
        %dma_start3A_76 = arith.constant 0 : i32
        %dma_start3A_77 = tpu.memref_slice %arg8[%sub3A_71, %dma_start3A_76] : memref<256x128xf32, #tpu.memory_space<vmem>> -> memref<128x128xf32, #tpu.memory_space<vmem>>
        %dma_start3A_78 = arith.constant 0 : i32
        %dma_start3A_79 = tpu.memref_slice %arg6[%rem3A_75, %dma_start3A_78] : memref<40x128xi32, #tpu.memory_space<vmem>> -> memref<1x128xi32, #tpu.memory_space<vmem>>
        %dma_start3A_80 = tpu.memref_squeeze %dma_start3A_79 : memref<1x128xi32, #tpu.memory_space<vmem>> -> memref<128xi32, #tpu.memory_space<vmem>>
        %dma_start3A_81 = arith.constant 0 : i32
        %dma_start3A_82 = arith.constant 0 : i32
        %dma_start3A_83 = tpu.memref_slice %arg2[%dma_start3A_81, %dma_start3A_82] : memref<20480x128xf32, #tpu.memory_space<hbm>> -> memref<20480x128xf32, #tpu.memory_space<hbm>>
        tpu.enqueue_indirect_dma source(%dma_start3A_83 : memref<20480x128xf32, #tpu.memory_space<hbm>>) target(%dma_start3A_77 : memref<128x128xf32, #tpu.memory_space<vmem>>) offsets(%dma_start3A_80 : memref<128xi32, #tpu.memory_space<vmem>>) semaphore(%arg10 : memref<!tpu.dma_semaphore, #tpu.memory_space<semaphore_mem>>)
        %mul3A_84 = arith.constant 2 : i32
        %mul3A_85 = arith.muli %mul3A_84, %scan3A_58 : i32
        %dma_start3A_86 = arith.constant 0 : i32
        %dma_start3A_87 = tpu.memref_slice %arg8[%mul3A_70, %dma_start3A_86] : memref<256x128xf32, #tpu.memory_space<vmem>> -> memref<64x128xf32, #tpu.memory_space<vmem>>
        %dma_start3A_88 = arith.constant 0 : i32
        %dma_start3A_89 = tpu.memref_slice %arg7[%mul3A_85, %dma_start3A_88] : memref<80x64xi32, #tpu.memory_space<vmem>> -> memref<1x64xi32, #tpu.memory_space<vmem>>
        %dma_start3A_90 = tpu.memref_squeeze %dma_start3A_89 : memref<1x64xi32, #tpu.memory_space<vmem>> -> memref<64xi32, #tpu.memory_space<vmem>>
        %dma_start3A_91 = arith.constant 0 : i32
        %dma_start3A_92 = arith.constant 0 : i32
        %dma_start3A_93 = tpu.memref_slice %arg9[%dma_start3A_91, %dma_start3A_92] : memref<10240x128xf32, #tpu.memory_space<vmem_shared>> -> memref<10240x128xf32, #tpu.memory_space<vmem_shared>>
        tpu.enqueue_indirect_dma source(%dma_start3A_87 : memref<64x128xf32, #tpu.memory_space<vmem>>) target(%dma_start3A_93 : memref<10240x128xf32, #tpu.memory_space<vmem_shared>>) offsets(%dma_start3A_90 : memref<64xi32, #tpu.memory_space<vmem>>) semaphore(%arg11 : memref<!tpu.dma_semaphore, #tpu.memory_space<semaphore_mem>>) {add = true}
        %add3A_94 = arith.constant 64 : i32
        %add3A_95 = arith.addi %mul3A_70, %add3A_94 : i32
        %mul3A_96 = arith.constant 2 : i32
        %mul3A_97 = arith.muli %mul3A_96, %scan3A_58 : i32
        %add3A_98 = arith.constant 1 : i32
        %add3A_99 = arith.addi %mul3A_97, %add3A_98 : i32
        %dma_start3A_100 = arith.constant 0 : i32
        %dma_start3A_101 = tpu.memref_slice %arg8[%add3A_95, %dma_start3A_100] : memref<256x128xf32, #tpu.memory_space<vmem>> -> memref<64x128xf32, #tpu.memory_space<vmem>>
        %dma_start3A_102 = arith.constant 0 : i32
        %dma_start3A_103 = tpu.memref_slice %arg7[%add3A_99, %dma_start3A_102] : memref<80x64xi32, #tpu.memory_space<vmem>> -> memref<1x64xi32, #tpu.memory_space<vmem>>
        %dma_start3A_104 = tpu.memref_squeeze %dma_start3A_103 : memref<1x64xi32, #tpu.memory_space<vmem>> -> memref<64xi32, #tpu.memory_space<vmem>>
        %dma_start3A_105 = arith.constant 0 : i32
        %dma_start3A_106 = arith.constant 0 : i32
        %dma_start3A_107 = tpu.memref_slice %arg9[%dma_start3A_105, %dma_start3A_106] : memref<10240x128xf32, #tpu.memory_space<vmem_shared>> -> memref<10240x128xf32, #tpu.memory_space<vmem_shared>>
        tpu.enqueue_indirect_dma source(%dma_start3A_101 : memref<64x128xf32, #tpu.memory_space<vmem>>) target(%dma_start3A_107 : memref<10240x128xf32, #tpu.memory_space<vmem_shared>>) offsets(%dma_start3A_104 : memref<64xi32, #tpu.memory_space<vmem>>) semaphore(%arg12 : memref<!tpu.dma_semaphore, #tpu.memory_space<semaphore_mem>>) {add = true}
        %dma_wait3A_108 = arith.constant 0 : i32
        %dma_wait3A_109 = tpu.memref_slice %arg8[%mul3A_70, %dma_wait3A_108] : memref<256x128xf32, #tpu.memory_space<vmem>> -> memref<64x128xf32, #tpu.memory_space<vmem>>
        %dma_wait3A_110 = arith.constant 0 : i32
        %dma_wait3A_111 = tpu.memref_slice %arg7[%mul3A_85, %dma_wait3A_110] : memref<80x64xi32, #tpu.memory_space<vmem>> -> memref<1x64xi32, #tpu.memory_space<vmem>>
        %dma_wait3A_112 = tpu.memref_squeeze %dma_wait3A_111 : memref<1x64xi32, #tpu.memory_space<vmem>> -> memref<64xi32, #tpu.memory_space<vmem>>
        %dma_wait3A_113 = arith.constant 0 : i32
        %dma_wait3A_114 = arith.constant 0 : i32
        %dma_wait3A_115 = tpu.memref_slice %arg9[%dma_wait3A_113, %dma_wait3A_114] : memref<10240x128xf32, #tpu.memory_space<vmem_shared>> -> memref<10240x128xf32, #tpu.memory_space<vmem_shared>>
        tpu.wait_indirect_dma semaphore(%arg11 : memref<!tpu.dma_semaphore, #tpu.memory_space<semaphore_mem>>) src(%dma_wait3A_109 : memref<64x128xf32, #tpu.memory_space<vmem>>) dst(%dma_wait3A_115 : memref<10240x128xf32, #tpu.memory_space<vmem_shared>>)
        %dma_wait3A_116 = arith.constant 0 : i32
        %dma_wait3A_117 = tpu.memref_slice %arg8[%add3A_95, %dma_wait3A_116] : memref<256x128xf32, #tpu.memory_space<vmem>> -> memref<64x128xf32, #tpu.memory_space<vmem>>
        %dma_wait3A_118 = arith.constant 0 : i32
        %dma_wait3A_119 = tpu.memref_slice %arg7[%add3A_99, %dma_wait3A_118] : memref<80x64xi32, #tpu.memory_space<vmem>> -> memref<1x64xi32, #tpu.memory_space<vmem>>
        %dma_wait3A_120 = tpu.memref_squeeze %dma_wait3A_119 : memref<1x64xi32, #tpu.memory_space<vmem>> -> memref<64xi32, #tpu.memory_space<vmem>>
        %dma_wait3A_121 = arith.constant 0 : i32
        %dma_wait3A_122 = arith.constant 0 : i32
        %dma_wait3A_123 = tpu.memref_slice %arg9[%dma_wait3A_121, %dma_wait3A_122] : memref<10240x128xf32, #tpu.memory_space<vmem_shared>> -> memref<10240x128xf32, #tpu.memory_space<vmem_shared>>
        tpu.wait_indirect_dma semaphore(%arg12 : memref<!tpu.dma_semaphore, #tpu.memory_space<semaphore_mem>>) src(%dma_wait3A_117 : memref<64x128xf32, #tpu.memory_space<vmem>>) dst(%dma_wait3A_123 : memref<10240x128xf32, #tpu.memory_space<vmem_shared>>)
        %dma_wait3A_124 = arith.constant 0 : i32
        %dma_wait3A_125 = tpu.memref_slice %arg8[%sub3A_71, %dma_wait3A_124] : memref<256x128xf32, #tpu.memory_space<vmem>> -> memref<128x128xf32, #tpu.memory_space<vmem>>
        %dma_wait3A_126 = arith.constant 0 : i32
        %dma_wait3A_127 = tpu.memref_slice %arg6[%rem3A_75, %dma_wait3A_126] : memref<40x128xi32, #tpu.memory_space<vmem>> -> memref<1x128xi32, #tpu.memory_space<vmem>>
        %dma_wait3A_128 = tpu.memref_squeeze %dma_wait3A_127 : memref<1x128xi32, #tpu.memory_space<vmem>> -> memref<128xi32, #tpu.memory_space<vmem>>
        %dma_wait3A_129 = arith.constant 0 : i32
        %dma_wait3A_130 = arith.constant 0 : i32
        %dma_wait3A_131 = tpu.memref_slice %arg2[%dma_wait3A_129, %dma_wait3A_130] : memref<20480x128xf32, #tpu.memory_space<hbm>> -> memref<20480x128xf32, #tpu.memory_space<hbm>>
        tpu.wait_indirect_dma semaphore(%arg10 : memref<!tpu.dma_semaphore, #tpu.memory_space<semaphore_mem>>) src(%dma_wait3A_131 : memref<20480x128xf32, #tpu.memory_space<hbm>>) dst(%dma_wait3A_125 : memref<128x128xf32, #tpu.memory_space<vmem>>)
        %scan3A_132 = arith.constant 0 : i32
        scf.yield %scan3A_132 : i32
      }
      %scan3A_57 = arith.constant 40 : i32
      scf.yield %scan3A_56 : i32
    }
    %scan3A_19 = arith.constant 2 : i32
    %barrier3A_20 = arith.constant 0 : index
    tpu.barrier barrier_id(%barrier3A_20)
    %mul3A_21 = arith.constant 640 : i32
    %mul3A_22 = arith.muli %arg1, %mul3A_21 : i32
    "tpu.region"() ({
      %run_scoped3A = tpu.sem_alloc : memref<!tpu.dma_semaphore, #tpu.memory_space<semaphore_mem>>
      %dma_start3A = arith.constant 0 : i32
      %dma_start3A_23 = tpu.memref_slice %arg5[%add3A, %dma_start3A] : memref<20480x128xf32, #tpu.memory_space<hbm>> -> memref<640x128xf32, #tpu.memory_space<hbm>>
      %dma_start3A_24 = arith.constant 0 : i32
      %dma_start3A_25 = tpu.memref_slice %arg9[%mul3A_22, %dma_start3A_24] : memref<10240x128xf32, #tpu.memory_space<vmem_shared>> -> memref<640x128xf32, #tpu.memory_space<vmem_shared>>
      tpu.enqueue_dma source(%dma_start3A_25 : memref<640x128xf32, #tpu.memory_space<vmem_shared>>) target(%dma_start3A_23 : memref<640x128xf32, #tpu.memory_space<hbm>>) target_semaphore(%run_scoped3A : memref<!tpu.dma_semaphore, #tpu.memory_space<semaphore_mem>>)
      %dma_wait3A = arith.constant 0 : i32
      %dma_wait3A_26 = tpu.memref_slice %arg5[%add3A, %dma_wait3A] : memref<20480x128xf32, #tpu.memory_space<hbm>> -> memref<640x128xf32, #tpu.memory_space<hbm>>
      %dma_wait3A_27 = arith.constant 0 : i32
      %dma_wait3A_28 = tpu.memref_slice %arg9[%mul3A_22, %dma_wait3A_27] : memref<10240x128xf32, #tpu.memory_space<vmem_shared>> -> memref<640x128xf32, #tpu.memory_space<vmem_shared>>
      tpu.wait_dma2 semaphore(%run_scoped3A : memref<!tpu.dma_semaphore, #tpu.memory_space<semaphore_mem>>) src(%dma_wait3A_28 : memref<640x128xf32, #tpu.memory_space<vmem_shared>>) dst(%dma_wait3A_26 : memref<640x128xf32, #tpu.memory_space<hbm>>)
      tpu.yield
    }) : () -> ()
    return
  }
}

module attributes {stable_mosaic.version = 14 : i64} {
  func.func @_mm1_body(%arg0: i32, %arg1: i32, %arg2: memref<5120x256xf32, #tpu.memory_space<vmem>>, %arg3: memref<256x128xf32, #tpu.memory_space<vmem>>, %arg4: memref<5120x1xf32, #tpu.memory_space<vmem>>, %arg5: memref<5120x1xf32, #tpu.memory_space<vmem>>, %arg6: memref<5120x128xf32, #tpu.memory_space<vmem>>) attributes {dimension_semantics = [#tpu.dimension_semantics<arbitrary>, #tpu.dimension_semantics<arbitrary>], iteration_bounds = array<i64: 2, 2>, scalar_prefetch = 0 : i64, scratch_operands = 0 : i64, tpu.core_type = #tpu.core_type<tc>, window_params = [{transform_indices = @transform_0, window_bounds = array<i64: 5120, 256>}, {transform_indices = @transform_1, window_bounds = array<i64: 256, 128>}, {transform_indices = @transform_2, window_bounds = array<i64: 5120, 1>}, {transform_indices = @transform_3, window_bounds = array<i64: 5120, 1>}, {transform_indices = @transform_4, window_bounds = array<i64: 5120, 128>}]} {
    %get3A = arith.constant 0 : index
    %get3A_0 = arith.constant 0 : index
    %get3A_1 = vector.load %arg4[%get3A, %get3A_0] : memref<5120x1xf32, #tpu.memory_space<vmem>>, vector<5120x1xf32>
    %get3A_2 = arith.constant 0 : index
    %get3A_3 = arith.constant 0 : index
    %get3A_4 = vector.load %arg5[%get3A_2, %get3A_3] : memref<5120x1xf32, #tpu.memory_space<vmem>>, vector<5120x1xf32>
    %add3A = arith.addf %get3A_1, %get3A_4 : vector<5120x1xf32>
    %add3A_5 = arith.constant 1.000000e+00 : f32
    %add3A_6 = vector.broadcast %add3A_5 : f32 to vector<5120x1xf32>
    %add3A_7 = arith.addf %add3A, %add3A_6 : vector<5120x1xf32>
    %rsqrt3A = math.rsqrt %add3A_7 : vector<5120x1xf32>
    %get3A_8 = arith.constant 0 : index
    %get3A_9 = arith.constant 0 : index
    %get3A_10 = vector.load %arg2[%get3A_8, %get3A_9] : memref<5120x256xf32, #tpu.memory_space<vmem>>, vector<5120x256xf32>
    %get3A_11 = arith.constant 0 : index
    %get3A_12 = arith.constant 0 : index
    %get3A_13 = vector.load %arg3[%get3A_11, %get3A_12] : memref<256x128xf32, #tpu.memory_space<vmem>>, vector<256x128xf32>
    %dot_general3A = arith.constant dense<0.000000e+00> : vector<5120x128xf32>
    %dot_general3A_14 = tpu.matmul %get3A_10, %get3A_13, %dot_general3A {dimension_numbers = #tpu.dot_dimension_numbers<[1], [0], [0], [1], [0, 0, 1, 1], [], []>, transpose_lhs_hint = false} : vector<5120x256xf32>, vector<256x128xf32>, vector<5120x128xf32> -> vector<5120x128xf32>
    %mul3A = vector.broadcast %rsqrt3A : vector<5120x1xf32> to vector<5120x128xf32>
    %mul3A_15 = arith.mulf %dot_general3A_14, %mul3A : vector<5120x128xf32>
    %swap3A = arith.constant 0 : index
    %swap3A_16 = arith.constant 0 : index
    %swap3A_17 = vector.load %arg6[%swap3A, %swap3A_16] : memref<5120x128xf32, #tpu.memory_space<vmem>>, vector<5120x128xf32>
    tpu.vector_store %arg6[%swap3A, %swap3A_16], %mul3A_15 {strides = array<i32>} : memref<5120x128xf32, #tpu.memory_space<vmem>>, vector<5120x128xf32>,
    return
  }
  func.func @transform_0(%arg0: i32, %arg1: i32) -> (i32, i32) {
    %c0_i32 = arith.constant 0 : i32
    %c0_i32_0 = arith.constant 0 : i32
    return %arg1, %c0_i32 : i32, i32
  }
  func.func @transform_1(%arg0: i32, %arg1: i32) -> (i32, i32) {
    %c0_i32 = arith.constant 0 : i32
    %c0_i32_0 = arith.constant 0 : i32
    return %c0_i32, %arg0 : i32, i32
  }
  func.func @transform_2(%arg0: i32, %arg1: i32) -> (i32, i32) {
    %c0_i32 = arith.constant 0 : i32
    %c0_i32_0 = arith.constant 0 : i32
    return %arg1, %c0_i32 : i32, i32
  }
  func.func @transform_3(%arg0: i32, %arg1: i32) -> (i32, i32) {
    %c0_i32 = arith.constant 0 : i32
    %c0_i32_0 = arith.constant 0 : i32
    return %arg1, %c0_i32 : i32, i32
  }
  func.func @transform_4(%arg0: i32, %arg1: i32) -> (i32, i32) {
    %mul3A = arith.constant 2 : i32
    %mul3A_0 = arith.muli %arg0, %mul3A : i32
    %add3A = arith.addi %mul3A_0, %arg1 : i32
    %c0_i32 = arith.constant 0 : i32
    %c0_i32_1 = arith.constant 0 : i32
    return %add3A, %c0_i32 : i32, i32
  }
}

module attributes {stable_mosaic.version = 14 : i64} {
  func.func @_mm2_body(%arg0: i32, %arg1: i32, %arg2: memref<5120x128xf32, #tpu.memory_space<vmem>>, %arg3: memref<5120x128xf32, #tpu.memory_space<vmem>>, %arg4: memref<256x128xf32, #tpu.memory_space<vmem>>, %arg5: memref<1x256xf32, #tpu.memory_space<vmem>>, %arg6: memref<5120x1xf32, #tpu.memory_space<vmem>>, %arg7: memref<5120x1xf32, #tpu.memory_space<vmem>>, %arg8: memref<5120x128xf32, #tpu.memory_space<vmem>>) attributes {dimension_semantics = [#tpu.dimension_semantics<arbitrary>, #tpu.dimension_semantics<arbitrary>], iteration_bounds = array<i64: 2, 2>, scalar_prefetch = 0 : i64, scratch_operands = 0 : i64, tpu.core_type = #tpu.core_type<tc>, window_params = [{transform_indices = @transform_0, window_bounds = array<i64: 5120, 128>}, {transform_indices = @transform_1, window_bounds = array<i64: 5120, 128>}, {transform_indices = @transform_2, window_bounds = array<i64: 256, 128>}, {pipeline_mode = #tpu.pipeline_mode<synchronous>, transform_indices = @transform_3, window_bounds = array<i64: 1, 256>}, {transform_indices = @transform_4, window_bounds = array<i64: 5120, 1>}, {transform_indices = @transform_5, window_bounds = array<i64: 5120, 1>}, {transform_indices = @transform_6, window_bounds = array<i64: 5120, 128>}]} {
    %get3A = arith.constant 0 : index
    %get3A_0 = arith.constant 0 : index
    %get3A_1 = vector.load %arg6[%get3A, %get3A_0] : memref<5120x1xf32, #tpu.memory_space<vmem>>, vector<5120x1xf32>
    %get3A_2 = arith.constant 0 : index
    %get3A_3 = arith.constant 0 : index
    %get3A_4 = vector.load %arg7[%get3A_2, %get3A_3] : memref<5120x1xf32, #tpu.memory_space<vmem>>, vector<5120x1xf32>
    %add3A = arith.addf %get3A_1, %get3A_4 : vector<5120x1xf32>
    %add3A_5 = arith.constant 1.000000e+00 : f32
    %add3A_6 = vector.broadcast %add3A_5 : f32 to vector<5120x1xf32>
    %add3A_7 = arith.addf %add3A, %add3A_6 : vector<5120x1xf32>
    %rsqrt3A = math.rsqrt %add3A_7 : vector<5120x1xf32>
    %get3A_8 = arith.constant 0 : index
    %get3A_9 = arith.constant 0 : index
    %get3A_10 = vector.load %arg2[%get3A_8, %get3A_9] : memref<5120x128xf32, #tpu.memory_space<vmem>>, vector<5120x128xf32>
    %get3A_11 = arith.constant 0 : index
    %get3A_12 = arith.constant 0 : index
    %get3A_13 = vector.load %arg3[%get3A_11, %get3A_12] : memref<5120x128xf32, #tpu.memory_space<vmem>>, vector<5120x128xf32>
    %concatenate3A = tpu.concatenate %get3A_10, %get3A_13 in 1 : vector<5120x128xf32>, vector<5120x128xf32> -> vector<5120x256xf32>
    %mul3A = vector.broadcast %rsqrt3A : vector<5120x1xf32> to vector<5120x256xf32>
    %mul3A_14 = arith.mulf %concatenate3A, %mul3A : vector<5120x256xf32>
    %get3A_15 = arith.constant 0 : index
    %get3A_16 = arith.constant 0 : index
    %get3A_17 = vector.load %arg5[%get3A_15, %get3A_16] : memref<1x256xf32, #tpu.memory_space<vmem>>, vector<1x256xf32>
    %add3A_18 = vector.broadcast %get3A_17 : vector<1x256xf32> to vector<5120x256xf32>
    %add3A_19 = arith.addf %mul3A_14, %add3A_18 : vector<5120x256xf32>
    %max3A = arith.constant 0.000000e+00 : f32
    %max3A_20 = vector.broadcast %max3A : f32 to vector<5120x256xf32>
    %max3A_21 = arith.maximumf %add3A_19, %max3A_20 : vector<5120x256xf32>
    %get3A_22 = arith.constant 0 : index
    %get3A_23 = arith.constant 0 : index
    %get3A_24 = vector.load %arg4[%get3A_22, %get3A_23] : memref<256x128xf32, #tpu.memory_space<vmem>>, vector<256x128xf32>
    %dot_general3A = arith.constant dense<0.000000e+00> : vector<5120x128xf32>
    %dot_general3A_25 = tpu.matmul %max3A_21, %get3A_24, %dot_general3A {dimension_numbers = #tpu.dot_dimension_numbers<[1], [0], [0], [1], [0, 0, 1, 1], [], []>, transpose_lhs_hint = false} : vector<5120x256xf32>, vector<256x128xf32>, vector<5120x128xf32> -> vector<5120x128xf32>
    %mul3A_26 = vector.broadcast %rsqrt3A : vector<5120x1xf32> to vector<5120x128xf32>
    %mul3A_27 = arith.mulf %dot_general3A_25, %mul3A_26 : vector<5120x128xf32>
    %swap3A = arith.constant 0 : index
    %swap3A_28 = arith.constant 0 : index
    %swap3A_29 = vector.load %arg8[%swap3A, %swap3A_28] : memref<5120x128xf32, #tpu.memory_space<vmem>>, vector<5120x128xf32>
    tpu.vector_store %arg8[%swap3A, %swap3A_28], %mul3A_27 {strides = array<i32>} : memref<5120x128xf32, #tpu.memory_space<vmem>>, vector<5120x128xf32>,
    return
  }
  func.func @transform_0(%arg0: i32, %arg1: i32) -> (i32, i32) {
    %c0_i32 = arith.constant 0 : i32
    %c0_i32_0 = arith.constant 0 : i32
    return %arg1, %c0_i32 : i32, i32
  }
  func.func @transform_1(%arg0: i32, %arg1: i32) -> (i32, i32) {
    %add3A = arith.constant 2 : i32
    %add3A_0 = arith.addi %add3A, %arg1 : i32
    %c0_i32 = arith.constant 0 : i32
    %c0_i32_1 = arith.constant 0 : i32
    return %add3A_0, %c0_i32 : i32, i32
  }
  func.func @transform_2(%arg0: i32, %arg1: i32) -> (i32, i32) {
    %c0_i32 = arith.constant 0 : i32
    %c0_i32_0 = arith.constant 0 : i32
    return %c0_i32, %arg0 : i32, i32
  }
  func.func @transform_3(%arg0: i32, %arg1: i32) -> (i32, i32) {
    %c0_i32 = arith.constant 0 : i32
    %c0_i32_0 = arith.constant 0 : i32
    %c0_i32_1 = arith.constant 0 : i32
    return %c0_i32, %c0_i32_0 : i32, i32
  }
  func.func @transform_4(%arg0: i32, %arg1: i32) -> (i32, i32) {
    %c0_i32 = arith.constant 0 : i32
    %c0_i32_0 = arith.constant 0 : i32
    return %arg1, %c0_i32 : i32, i32
  }
  func.func @transform_5(%arg0: i32, %arg1: i32) -> (i32, i32) {
    %c0_i32 = arith.constant 0 : i32
    %c0_i32_0 = arith.constant 0 : i32
    return %arg1, %c0_i32 : i32, i32
  }
  func.func @transform_6(%arg0: i32, %arg1: i32) -> (i32, i32) {
    %mul3A = arith.constant 2 : i32
    %mul3A_0 = arith.muli %arg0, %mul3A : i32
    %add3A = arith.addi %mul3A_0, %arg1 : i32
    %c0_i32 = arith.constant 0 : i32
    %c0_i32_1 = arith.constant 0 : i32
    return %add3A, %c0_i32 : i32, i32
  }
}

module attributes {stable_mosaic.version = 14 : i64} {
  func.func @_mm3_body(%arg0: i32, %arg1: memref<5120x128xf32, #tpu.memory_space<vmem>>, %arg2: memref<5120x128xf32, #tpu.memory_space<vmem>>, %arg3: memref<256x128xf32, #tpu.memory_space<vmem>>, %arg4: memref<1x256xf32, #tpu.memory_space<vmem>>, %arg5: memref<1x128xf32, #tpu.memory_space<vmem>>, %arg6: memref<5120x1xf32, #tpu.memory_space<vmem>>, %arg7: memref<5120x1xf32, #tpu.memory_space<vmem>>, %arg8: memref<5120x128xf32, #tpu.memory_space<vmem>>) attributes {dimension_semantics = [#tpu.dimension_semantics<arbitrary>], iteration_bounds = array<i64: 2>, scalar_prefetch = 0 : i64, scratch_operands = 0 : i64, tpu.core_type = #tpu.core_type<tc>, window_params = [{transform_indices = @transform_0, window_bounds = array<i64: 5120, 128>}, {transform_indices = @transform_1, window_bounds = array<i64: 5120, 128>}, {pipeline_mode = #tpu.pipeline_mode<synchronous>, transform_indices = @transform_2, window_bounds = array<i64: 256, 128>}, {pipeline_mode = #tpu.pipeline_mode<synchronous>, transform_indices = @transform_3, window_bounds = array<i64: 1, 256>}, {pipeline_mode = #tpu.pipeline_mode<synchronous>, transform_indices = @transform_4, window_bounds = array<i64: 1, 128>}, {transform_indices = @transform_5, window_bounds = array<i64: 5120, 1>}, {transform_indices = @transform_6, window_bounds = array<i64: 5120, 1>}, {transform_indices = @transform_7, window_bounds = array<i64: 5120, 128>}]} {
    %get3A = arith.constant 0 : index
    %get3A_0 = arith.constant 0 : index
    %get3A_1 = vector.load %arg6[%get3A, %get3A_0] : memref<5120x1xf32, #tpu.memory_space<vmem>>, vector<5120x1xf32>
    %get3A_2 = arith.constant 0 : index
    %get3A_3 = arith.constant 0 : index
    %get3A_4 = vector.load %arg7[%get3A_2, %get3A_3] : memref<5120x1xf32, #tpu.memory_space<vmem>>, vector<5120x1xf32>
    %add3A = arith.addf %get3A_1, %get3A_4 : vector<5120x1xf32>
    %add3A_5 = arith.constant 1.000000e+00 : f32
    %add3A_6 = vector.broadcast %add3A_5 : f32 to vector<5120x1xf32>
    %add3A_7 = arith.addf %add3A, %add3A_6 : vector<5120x1xf32>
    %rsqrt3A = math.rsqrt %add3A_7 : vector<5120x1xf32>
    %get3A_8 = arith.constant 0 : index
    %get3A_9 = arith.constant 0 : index
    %get3A_10 = vector.load %arg1[%get3A_8, %get3A_9] : memref<5120x128xf32, #tpu.memory_space<vmem>>, vector<5120x128xf32>
    %get3A_11 = arith.constant 0 : index
    %get3A_12 = arith.constant 0 : index
    %get3A_13 = vector.load %arg2[%get3A_11, %get3A_12] : memref<5120x128xf32, #tpu.memory_space<vmem>>, vector<5120x128xf32>
    %concatenate3A = tpu.concatenate %get3A_10, %get3A_13 in 1 : vector<5120x128xf32>, vector<5120x128xf32> -> vector<5120x256xf32>
    %mul3A = vector.broadcast %rsqrt3A : vector<5120x1xf32> to vector<5120x256xf32>
    %mul3A_14 = arith.mulf %concatenate3A, %mul3A : vector<5120x256xf32>
    %get3A_15 = arith.constant 0 : index
    %get3A_16 = arith.constant 0 : index
    %get3A_17 = vector.load %arg4[%get3A_15, %get3A_16] : memref<1x256xf32, #tpu.memory_space<vmem>>, vector<1x256xf32>
    %add3A_18 = vector.broadcast %get3A_17 : vector<1x256xf32> to vector<5120x256xf32>
    %add3A_19 = arith.addf %mul3A_14, %add3A_18 : vector<5120x256xf32>
    %max3A = arith.constant 0.000000e+00 : f32
    %max3A_20 = vector.broadcast %max3A : f32 to vector<5120x256xf32>
    %max3A_21 = arith.maximumf %add3A_19, %max3A_20 : vector<5120x256xf32>
    %get3A_22 = arith.constant 0 : index
    %get3A_23 = arith.constant 0 : index
    %get3A_24 = vector.load %arg3[%get3A_22, %get3A_23] : memref<256x128xf32, #tpu.memory_space<vmem>>, vector<256x128xf32>
    %dot_general3A = arith.constant dense<0.000000e+00> : vector<5120x128xf32>
    %dot_general3A_25 = tpu.matmul %max3A_21, %get3A_24, %dot_general3A {dimension_numbers = #tpu.dot_dimension_numbers<[1], [0], [0], [1], [0, 0, 1, 1], [], []>, transpose_lhs_hint = false} : vector<5120x256xf32>, vector<256x128xf32>, vector<5120x128xf32> -> vector<5120x128xf32>
    %get3A_26 = arith.constant 0 : index
    %get3A_27 = arith.constant 0 : index
    %get3A_28 = vector.load %arg5[%get3A_26, %get3A_27] : memref<1x128xf32, #tpu.memory_space<vmem>>, vector<1x128xf32>
    %add3A_29 = vector.broadcast %get3A_28 : vector<1x128xf32> to vector<5120x128xf32>
    %add3A_30 = arith.addf %dot_general3A_25, %add3A_29 : vector<5120x128xf32>
    %swap3A = arith.constant 0 : index
    %swap3A_31 = arith.constant 0 : index
    %swap3A_32 = vector.load %arg8[%swap3A, %swap3A_31] : memref<5120x128xf32, #tpu.memory_space<vmem>>, vector<5120x128xf32>
    tpu.vector_store %arg8[%swap3A, %swap3A_31], %add3A_30 {strides = array<i32>} : memref<5120x128xf32, #tpu.memory_space<vmem>>, vector<5120x128xf32>,
    return
  }
  func.func @transform_0(%arg0: i32) -> (i32, i32) {
    %c0_i32 = arith.constant 0 : i32
    %c0_i32_0 = arith.constant 0 : i32
    return %arg0, %c0_i32 : i32, i32
  }
  func.func @transform_1(%arg0: i32) -> (i32, i32) {
    %add3A = arith.constant 2 : i32
    %add3A_0 = arith.addi %add3A, %arg0 : i32
    %c0_i32 = arith.constant 0 : i32
    %c0_i32_1 = arith.constant 0 : i32
    return %add3A_0, %c0_i32 : i32, i32
  }
  func.func @transform_2(%arg0: i32) -> (i32, i32) {
    %c0_i32 = arith.constant 0 : i32
    %c0_i32_0 = arith.constant 0 : i32
    %c0_i32_1 = arith.constant 0 : i32
    return %c0_i32, %c0_i32_0 : i32, i32
  }
  func.func @transform_3(%arg0: i32) -> (i32, i32) {
    %c0_i32 = arith.constant 0 : i32
    %c0_i32_0 = arith.constant 0 : i32
    %c0_i32_1 = arith.constant 0 : i32
    return %c0_i32, %c0_i32_0 : i32, i32
  }
  func.func @transform_4(%arg0: i32) -> (i32, i32) {
    %c0_i32 = arith.constant 0 : i32
    %c0_i32_0 = arith.constant 0 : i32
    %c0_i32_1 = arith.constant 0 : i32
    return %c0_i32, %c0_i32_0 : i32, i32
  }
  func.func @transform_5(%arg0: i32) -> (i32, i32) {
    %c0_i32 = arith.constant 0 : i32
    %c0_i32_0 = arith.constant 0 : i32
    return %arg0, %c0_i32 : i32, i32
  }
  func.func @transform_6(%arg0: i32) -> (i32, i32) {
    %c0_i32 = arith.constant 0 : i32
    %c0_i32_0 = arith.constant 0 : i32
    return %arg0, %c0_i32 : i32, i32
  }
  func.func @transform_7(%arg0: i32) -> (i32, i32) {
    %c0_i32 = arith.constant 0 : i32
    %c0_i32_0 = arith.constant 0 : i32
    return %arg0, %c0_i32 : i32, i32
  }
}

</mosaic_0001>

<sc_bundles>
// kernel: kernel.11.cloned.1.call-start
scs
__scs_entry_jumppad:
0x0: {  	(pc) =	sbr.rel $0x88, $3  }
0x1: {  	(tag) =	ssettag $0x0;
	lr =	simm.s32 $0x1  }
0x2: {  	[smem:$0x3F99] =	sst lr;
	_ =	strace $0xD0000000  }
0x3: {  	_ = 	snop  }
0x4: {  	_ = 	snop  }
0x5: {  	_ = 	snop  }
0x6: {  	_ = 	snop  }
0x7: {  	_ = 	snop  }
__scs_overlays_trampoline_lowered:
0x8: {  	[smem:$0x3FA8] =	sst s0  }
0x9: {  	[smem:$0x3FA9] =	sst s1  }
0xa: {  	[smem:$0x3FAA] =	sst s2  }
0xb: {  	[smem:$0x3FAB] =	sst s3  }
0xc: {  	[smem:$0x3FAC] =	sst s4  }
0xd: {  	[smem:$0x3FAD] =	sst s5  }
0xe: {  	[smem:$0x3FAE] =	sst s6  }
0xf: {  	[smem:$0x3FAF] =	sst s7  }
0x10: {  	[smem:$0x3FB0] =	sst s8  }
0x11: {  	[smem:$0x3FB1] =	sst s9;
	s0 =	simm.s32 @!p0 $0x0  }
0x12: {  	s1 =	sld [smem:$0x3F97];
	s0 =	simm.s32 @p0 $0x1  }
0x13: {  	[smem:$0x3FB2] =	sst s0;
	s0 =	simm.s32 @!p1 $0x0  }
0x14: {  	s2 =	sld [smem:$0x3F96];
	s0 =	simm.s32 @p1 $0x1  }
0x15: {  	[smem:$0x3FB3] =	sst s0;
	s0 =	simm.s32 @!p2 $0x0  }
0x16: {  	s3 =	sld [smem:$0x3FDB];
	s0 =	simm.s32 @p2 $0x1  }
0x17: {  	s4 =	simm.s32 $0x1BF5;
	[smem:$0x3FB5] =	sst s0  }
0x18: {  	s0 =	sld [smem:$0x3F98];
	_ =	swait.ge [sflag:s4], $0x0  }
0x19: {  	s7 =	sld [smem:$0x3F99]  }
0x1a: {  	s8 =	sadd.s32 $0xFFFFE003, lr  }
0x1b: {  	s9 =	sadd.s32 $0xFFFFFEF7, lr;
	s5 =	simm.s32 $0xFFFFFFFF;
	p2 =	slt.u32 s8, $0xFFFFF086  }
0x1c: {  	p1 =	slt.u32 s9, $0xF7A;
	s5 =	simm.s32 @!p2 $0x0  }
0x1d: {  	s5 =	simm.s32 @p1 $0x1;
	p0 =	seq.s32 s7, s2  }
0x1e: {  	s7 =	smul.u32 @!p0 $0xF7A, s2;
	p2 =	seq.s32 @!p0 s5, $0x0  }
0x1f: {  	s9 =	smul.u32 $0xF7A, s1;
	s8 =	simm.s32 @!p0 $0x1BF5;
	p2 =	por !p2, p0  }
0x20: {  	[sflag:s8] =	ssyncset.s32 @!p0 $0xFFFFF086;
	s6 =	sadd.s32 @!p0 s3, s7;
	s7 =	simm.s32 @!p0 $0x108  }
0x21: {  	s3 =	sadd.s32 s3, s9;
	s6 =	sadd.s32 @!p0 $0x88, s6;
	s7 =	simm.s32 @p2 $0x1082  }
0x22: {  	[simem:s7], [sflag:s8] =	dma.local @!p0 [hbm:s6], $0xF7A  }
0x23: {  	s9 =	sor.u32 $0xD0000000, s2;
	s6 =	simm.s32 $0x108;
	_ =	swait.ge @!p0 [sflag:s8], $0x0  }
0x24: {  	s3 =	sadd.s32 $0x88, s3;
	s6 =	simm.s32 @!p1 $0x1082;
	[sflag:s4] =	ssyncset.s32 $0xFFFFF086  }
0x25: {  	[simem:s6], [sflag:s4] =	dma.local [hbm:s3], $0xF7A  }
0x26: {  	[smem:$0x3F99] =	sst s1;
	(tag) =	ssettag s2;
	_ =	strace s9  }
0x27: {  	s1 =	sld [smem:$0x3FA9]  }
0x28: {  	s2 =	sld [smem:$0x3FAA]  }
0x29: {  	s4 =	sld [smem:$0x3FAC]  }
0x2a: {  	p0 =	seq.s32 s5, $0x0;
	s5 =	sld [smem:$0x3FAD]  }
0x2b: {  	s6 =	sld [smem:$0x3FAE]  }
0x2c: {  	s7 =	sld [smem:$0x3FAF]  }
0x2d: {  	s3 =	simm.s32 $0x108;
	s8 =	sld [smem:$0x3FB0]  }
0x2e: {  	s3 =	simm.s32 @!p0 $0x1082;
	s9 =	sld [smem:$0x3FB1]  }
0x2f: {  	lr =	sadd.s32 s0, s3;
	s0 =	sld [smem:$0x3FA8]  }
0x30: {  	s3 =	sld [smem:$0x3FAB]  }
0x31: {  	[smem:$0x3FB4] =	sst s10  }
0x32: {  	s10 =	sld [smem:$0x3FB2];
	_ =	sdelay $0x3  }
0x33: {  	p0 =	seq.s32 s10, $0x1;
	s10 =	sld [smem:$0x3FB4];
	_ =	sdelay $0x3  }
0x34: {  	[smem:$0x3FB4] =	sst s10  }
0x35: {  	s10 =	sld [smem:$0x3FB3];
	_ =	sdelay $0x3  }
0x36: {  	p1 =	seq.s32 s10, $0x1;
	s10 =	sld [smem:$0x3FB4];
	_ =	sdelay $0x3  }
0x37: {  	[smem:$0x3FB4] =	sst s10  }
0x38: {  	s10 =	sld [smem:$0x3FB5]  }
0x39: {  	_ = 	snop;
	(pc) =	sbr.ind lr, $3  }
0x3a: {  	_ = 	snop  }
0x3b: {  	_ = 	snop  }
0x3c: {  	p2 =	seq.s32 s10, $0x1;
	s10 =	sld [smem:$0x3FB4]  }
0x3d: {  	_ =	shalt  }
0x3e: {  	_ =	shalt  }
0x3f: {  	_ =	shalt  }
0x40: {  	_ =	shalt  }
0x41: {  	_ =	shalt  }
0x42: {  	_ =	shalt  }
0x43: {  	_ =	shalt  }
0x44: {  	_ =	shalt  }
0x45: {  	_ =	shalt  }
0x46: {  	_ =	shalt  }
0x47: {  	_ =	shalt  }
0x48: {  	_ =	shalt  }
0x49: {  	_ =	shalt  }
0x4a: {  	_ =	shalt  }
0x4b: {  	_ =	shalt  }
0x4c: {  	_ =	shalt  }
0x4d: {  	_ =	shalt  }
0x4e: {  	_ =	shalt  }
0x4f: {  	_ =	shalt  }
0x50: {  	_ =	shalt  }
0x51: {  	_ =	shalt  }
0x52: {  	_ =	shalt  }
0x53: {  	_ =	shalt  }
0x54: {  	_ =	shalt  }
0x55: {  	_ =	shalt  }
0x56: {  	_ =	shalt  }
0x57: {  	_ =	shalt  }
0x58: {  	_ =	shalt  }
0x59: {  	_ =	shalt  }
0x5a: {  	_ =	shalt  }
0x5b: {  	_ =	shalt  }
0x5c: {  	_ =	shalt  }
0x5d: {  	_ =	shalt  }
0x5e: {  	_ =	shalt  }
0x5f: {  	_ =	shalt  }
0x60: {  	_ =	shalt  }
0x61: {  	_ =	shalt  }
0x62: {  	_ =	shalt  }
0x63: {  	_ =	shalt  }
0x64: {  	_ =	shalt  }
0x65: {  	_ =	shalt  }
0x66: {  	_ =	shalt  }
0x67: {  	_ =	shalt  }
0x68: {  	_ =	shalt  }
0x69: {  	_ =	shalt  }
0x6a: {  	_ =	shalt  }
0x6b: {  	_ =	shalt  }
0x6c: {  	_ =	shalt  }
0x6d: {  	_ =	shalt  }
0x6e: {  	_ =	shalt  }
0x6f: {  	_ =	shalt  }
0x70: {  	_ =	shalt  }
0x71: {  	_ =	shalt  }
0x72: {  	_ =	shalt  }
0x73: {  	_ =	shalt  }
0x74: {  	_ =	shalt  }
0x75: {  	_ =	shalt  }
0x76: {  	_ =	shalt  }
0x77: {  	_ =	shalt  }
0x78: {  	_ =	shalt  }
0x79: {  	_ =	shalt  }
0x7a: {  	_ =	shalt  }
0x7b: {  	_ =	shalt  }
0x7c: {  	_ =	shalt  }
0x7d: {  	_ =	shalt  }
0x7e: {  	_ =	shalt  }
0x7f: {  	_ =	shalt  }
0x80: {  	_ =	shalt  }
0x81: {  	_ =	shalt  }
0x82: {  	_ =	shalt  }
0x83: {  	_ =	shalt  }
0x84: {  	_ =	shalt  }
0x85: {  	_ =	shalt  }
0x86: {  	_ =	shalt  }
0x87: {  	_ =	shalt  }
.Lfunc_end0:
.L_simem_size_0:
called_computation.1_lowered:
.L_overlay_start_0:
0x88: {  	s2 =	sld [smem:$0x3FD9]  }
0x89: {  	s3 =	sld [smem:$0x3FFE];
	_ =	sdelay $0x1  }
0x8a: {  	s1 =	srdreg.scid  }
0x8b: {  	s0 =	sand.u32 $0x1, s1  }
0x8c: {  	s17 =	sshll.u32 s0, $0xA;
	s2 =	sadd.s32 s3, s2  }
0x8d: {  	s2 =	sadd.s32 s2, s17  }
0x8e: {  	[smem:$0x3FC0] =	sst s2  }
0x8f: {  	_ = 	snop  }
0x90: {  	s2 =	sld [smem:$0x3FD0];
	(tm) =	ssettm $0x1  }
0x91: {  	s18 =	sld [smem:$0x3FFB];
	_ =	sdelay $0x3  }
0x92: {  	_ =	strace s18  }
0x93: {  	s3 =	sld [smem:$0x3FFC];
	_ =	sdelay $0x3  }
0x94: {  	_ =	strace s3  }
0x95: {  	s3 =	sld [smem:$0x3FFD];
	_ =	sdelay $0x3  }
0x96: {  	_ =	strace s3  }
0x97: {  	_ =	strace $0x8FFFFFFF  }
0x98: {  	s19 =	sld [smem:$0x3FDB];
	_ =	sdelay $0x1  }
0x99: {  	s4 =	simm.s32 $_scs_section_size  }
0x9a: {  	s5 =	simm.s32 $_size__tile_overlayer_lowered;
	s6 =	simm.s32 $_tile_overlayer_lowered  }
0x9b: {  	s22 =	simm.s32 $0x1BFF;
	s21 =	sshll.u32 s6, $0x1;
	s3 =	sadd.s32 s4, s19  }
0x9c: {  	s7 =	simm.s32 $0x0;
	s20 =	sshll.u32 s5, $0x1;
	s5 =	sadd.s32 s21, s3  }
0x9d: {  	[timem:s7], [sflag:s22] =	dma.local [hbm:s5], s20  }
0x9e: {  	_ =	swait.ge [sflag:s22], s20  }
0x9f: {  	s4 =	ssub.s32 $0x0, s20;
	[sflag:s22] =	ssyncset.done $0x0  }
0xa0: {  	[sflag:s22] =	ssyncadd.s32 s4;
	_ =	sdelay $0x1  }
0xa1: {  	s23 =	simm.s32 $0x1B8B  }
0xa2: {  	_ =	swait.ge [sflag:s23], $0x1  }
0xa3: {  	[sflag:s23] =	ssyncset.done $0x0  }
0xa4: {  	s25 =	simm.s32 $0x1B8E;
	s24 =	sld [smem:$0x3FFE];
	[sflag:s23] =	ssyncadd.s32 $0xFFFFFFFF  }
0xa5: {  	s26 =	simm.s32 $execute0_lowered;
	[smem:$0x3FD2] =	sst s25  }
0xa6: {  	s5 =	sshll.u32 s26, $0x1;
	_ =	strace $0x80000049;
	[dreg:$0x1] =	wrdreg $0xFFFFFFFF  }
0xa7: {  	s28 =	simm.s32 $_size_execute0_lowered;
	s3 =	sadd.s32 s3, s5;
	[dreg:$0x0] =	wrdreg $0x0  }
0xa8: {  	s5 =	sshll.u32 s28, $0x1;
	[dreg:$0x2] =	wrdreg s3  }
0xa9: {  	[dreg:$0x3] =	wrdreg s5  }
0xaa: {  	[dreg:$0x4] =	wrdreg $0xC0  }
0xab: {  	_ =	task [dreg:s7], $0x5FFFF  }
0xac: {  	[dreg:$0x1] =	wrdreg $0xFFFFFFFF  }
0xad: {  	[dreg:$0x0] =	wrdreg $0x60  }
0xae: {  	[dreg:$0x2] =	wrdreg s24  }
0xaf: {  	[dreg:$0x3] =	wrdreg s2  }
0xb0: {  	[dreg:$0x4] =	wrdreg $0xBC000  }
0xb1: {  	[dreg:$0x5] =	wrdreg $0x9  }
0xb2: {  	_ =	task.clear_ibuf [dreg:s7], $0x6FFFF;
	_ =	strace $0x90000049  }
0xb3: {  	s29 =	simm.s32 $0x9;
	_ =	strace $0x8000004B  }
0xb4: {  	_ =	swait.ge [sflag:s29], $0x1  }
0xb5: {  	[sflag:s29] =	ssyncadd.s32 $0xFFFFFFFF  }
0xb6: {  	_ =	strace $0x9000004B  }
0xb7: {  	_ =	sfence  }
0xb8: {  	s30 =	sld [smem:$0x0];
	_ =	sdelay $0x2  }
0xb9: {  	s31 =	sshll.u32 s1, $0xD;
	s1 =	sshrl.u32 s1, $0x2  }
0xba: {  	s3 =	sand.u32 $0x4000, s31;
	s1 =	sadd.s32 s1, s30  }
0xbb: {  	s0 =	sor.u32 s3, s0;
	s1 =	sshll.u32 s1, $0x11  }
0xbc: {  	s0 =	sor.u32 s1, s0  }
0xbd: {  	s0 =	sadd.s32 $0x8F2B, s0  }
0xbe: {  	[sflag:s0] =	ssyncadd.remote.s32 $0x1  }
0xbf: {  	_ =	sfence.sel $0xFFFF  }
0xc0: {  	[dreg:$0x0] =	wrdreg $0xFFFFFFFF;
	(pc) =	sbr.abs _section_cstart, $3  }
0xc1: {  	[dreg:$0x1] =	wrdreg $0xFFFFFFFF  }
0xc2: {  	_ =	task.clear_ibuf [dreg:s7], $0x2FFFF;
	_ =	strace $0x9FFFFFFF  }
0xc3: {  	(tm) =	ssettm $0x7FFFFFFF  }
tec
execute0_lowered:
.L_overlay_start_1:
0x0: {  	(tag) =	ssettag $0x1  }
0x1: {  	s5 =	rddreg [dreg:$0x0]  }
0x2: {  	s8 =	rddreg [dreg:$0x1];
	s0 =	stileid.u32  }
0x3: {  	s1 =	srdreg.scid;
	s2 =	rddreg [dreg:$0x2];
	s3 =	simm.s32 $0x0  }
0x4: {  	s16 =	simm.s32 $0x3C00;
	s17 =	simm.s32 $0x1;
	s18 =	simm.s32 $0x80  }
0x5: {  	s19 =	simm.s32 $0x40;
	s20 =	simm.s32 $0x2;
	s6 =	smul.u32 $0xA00, s0  }
0x6: {  	s21 =	simm.s32 $0x3;
	s22 =	simm.s32 $0x3B00;
	s10 =	smul.u32 $0x280, s0  }
0x7: {  	s23 =	simm.s32 $0x7C00;
	s7 =	sand.u32 $0x1, s1;
	s11 =	smul.u32 $0x50000, s0  }
0x8: {  	[smem:$0x7FF] =	sst s3;
	s4 =	sadd.s32 $0x11A00, s5;
	s26 =	smul.u32 $0x50, s0  }
0x9: {  	s31 =	sshll.u32 s0, $0x6;
	s9 =	smul.u32 $0x2800, s7;
	_ =	strace $0x8000004A  }
0xa: {  	s25 =	smul.u32 $0x500, s7;
	s7 =	ssub.s32 $0x2, s7;
	s12 =	sadd.s32 s6, s5  }
0xb: {  	s28 =	sshrl.u32 s7, $0x1;
	s11 =	sshrl.u32 s11, $0x2;
	s24 =	sadd.s32 s10, s9  }
0xc: {  	s14 =	ssub.s32 s7, s28;
	s15 =	sadd.s32 s11, s2;
	s29 =	sadd.s32 s26, s25  }
0xd: {  	s10 =	sadd.s32 $0x7A00, s12;
	s12 =	sadd.s32 $0x7F00, s12;
	s25 =	simm.s32 $0x9C00  }
0xe: {  	s26 =	simm.s32 $0x0;
	s6 =	sshll.u32 s24, $0x4;
	s9 =	sshll.u32 s29, $0x4  }
0xf: {  	s24 =	simm.s32 $0x3B80;
	s13 =	sadd.s32 s6, s5;
	s30 =	sadd.s32 s4, s6  }
0x10: {  	s6 =	sor.u32 $0x1C04, s31;
	s8 =	sadd.s32 s8, s9;
	s9 =	smax.u32 s14, $0x1  }
0x11: {  	s14 =	simm.s32 $0x4;
	[dreg:$0x4] =	wrdreg s30;
	s7 =	sadd.s32 $0x61A00, s13  }
0x12: {  	s11 =	sadd.s32 $0x280, s8;
	s13 =	sshrl.u32 s15, $0x3;
	s15 =	simm.s32 $0x1400  }
.LBB2_1:
0x13: {  	s0 =	rddreg [dreg:$0x4]  }
0x14: {  	[spmem:s13], [sflag:s6] =	dma.local [hbm:s0], $0x2800  }
0x15: {  	_ =	swait.ge [sflag:s14], $0x2800  }
0x16: {  	[sflag:s14] =	ssyncset.done $0x0  }
0x17: {  	[sflag:s14] =	ssyncadd.s32 $0xFFFFD800  }
0x18: {  	[bflag:$0x0] =	sbarrier.arrive $0xFFFF  }
0x19: {  	[tilespmem:s3], [sflag:$0x4] =	stream.linear.gather [hbm4b:s8+s3], $0x1400, $0x38;
	[tilespmem:$0x1FC00] =	vst v63  }
0x1a: {  	_ =	swait.ge [sflag:s14], $0x1400  }
0x1b: {  	[sflag:s14] =	ssyncset.done $0x0  }
0x1c: {  	[sflag:s14] =	ssyncadd.s32 $0xFFFFEC00  }
0x1d: {  	[tilespmem:s15], [sflag:$0x4] =	stream.linear.gather [hbm4b:s10+s3], $0x2800, $0x38;
	[tilespmem:$0x1FC00] =	vst v63  }
0x1e: {  	_ =	swait.ge [sflag:s14], $0x2800  }
0x1f: {  	[sflag:s14] =	ssyncset.done $0x0  }
0x20: {  	[sflag:s14] =	ssyncadd.s32 $0xFFFFD800  }
0x21: {  	[tilespmem:s16], [sflag:$0x1] =	stream.indirect.gather [hbm4b:s4+s18], $0x80, s3, s18, $0xb8;
	[tilespmem:$0x1FC00] =	vst v63  }
0x22: {  	s28 =	simm.s32 $0x0;
	_ =	swait.ge [sflag:s17], $0x4000  }
0x23: {  	s28 =	sand.u32 $0x4000, s28;
	[sflag:s17] =	ssyncset.done $0x0  }
0x24: {  	s29 =	sxor.u32 $0x7C00, s28;
	[sflag:s17] =	ssyncadd.s32 $0xFFFFC000  }
0x25: {  	[tilespmem:s29], [sflag:$0x1] =	stream.indirect.gather [hbm4b:s4+s18], $0x80, s18, s18, $0xb8;
	[tilespmem:$0x1FC00] =	vst v63  }
0x26: {  	s30 =	simm.s32 $0x1400;
	s29 =	sor.u32 $0x3C00, s28  }
0x27: {  	[spmem:s2] =	stream.indirect.scatter.add.f32 [tilespmem:s29], [sflag:$0x2], $0x80, s30, s19, $0xb8;
	[tilespmem:$0x1FC00] =	vst v63  }
0x28: {  	s28 =	sadd.s32 $0x5C00, s28;
	s29 =	simm.s32 $0x1480  }
0x29: {  	[spmem:s2] =	stream.indirect.scatter.add.f32 [tilespmem:s28], [sflag:$0x3], $0x80, s29, s19, $0xb8;
	[tilespmem:$0x1FC00] =	vst v63  }
0x2a: {  	_ =	swait.ge [sflag:s20], $0x2000  }
0x2b: {  	[sflag:s20] =	ssyncset.done $0x0  }
0x2c: {  	[sflag:s20] =	ssyncadd.s32 $0xFFFFE000  }
0x2d: {  	_ =	swait.ge [sflag:s21], $0x2000  }
0x2e: {  	[sflag:s21] =	ssyncset.done $0x0  }
0x2f: {  	s31 =	simm.s32 $0x100;
	[sflag:s21] =	ssyncadd.s32 $0xFFFFE000  }
0x30: {  	s28 =	simm.s32 $0x4000;
	s29 =	simm.s32 $0x100;
	_ =	swait.ge [sflag:s17], $0x4000  }
0x31: {  	s30 =	sand.u32 $0x4000, s28;
	s28 =	simm.s32 $0x1580;
	[sflag:s17] =	ssyncset.done $0x0  }
.LBB2_2:
0x32: {  	s1 =	sxor.u32 $0x7C00, s30  }
0x33: {  	[sflag:s17] =	ssyncadd.s32 $0xFFFFC000;
	s0 =	smov.u32 s31;
	s5 =	sadd.s32 $0x80, s31  }
0x34: {  	[tilespmem:s1], [sflag:$0x1] =	stream.indirect.gather [hbm4b:s4+s18], $0x80, s29, s18, $0xb8;
	[tilespmem:$0x1FC00] =	vst v63  }
0x35: {  	p0 =	sne.s32 s31, $0x1300;
	s31 =	sadd.s32 $0xFFFFFF80, s28;
	s1 =	sor.u32 $0x3C00, s30  }
0x36: {  	[spmem:s2] =	stream.indirect.scatter.add.f32 [tilespmem:s1], [sflag:$0x2], $0x80, s31, s19, $0xb8;
	[tilespmem:$0x1FC00] =	vst v63  }
0x37: {  	s1 =	sadd.s32 $0x5C00, s30  }
0x38: {  	[spmem:s2] =	stream.indirect.scatter.add.f32 [tilespmem:s1], [sflag:$0x3], $0x80, s28, s19, $0xb8;
	[tilespmem:$0x1FC00] =	vst v63  }
0x39: {  	_ =	swait.ge [sflag:s20], $0x2000  }
0x3a: {  	[sflag:s20] =	ssyncset.done $0x0  }
0x3b: {  	[sflag:s20] =	ssyncadd.s32 $0xFFFFE000  }
.Ltmp0:
0x3c: {  	_ =	swait.ge [sflag:s21], $0x2000;
	(pc) =	sbr.rel @p0 .LBB2_2-.Ltmp0, $4  }
0x3d: {  	[sflag:s21] =	ssyncset.done $0x0  }
0x3e: {  	s0 =	sshll.u32 s0, $0x7;
	[sflag:s21] =	ssyncadd.s32 $0xFFFFE000  }
0x3f: {  	s29 =	sadd.s32 $0x80, s29;
	s30 =	sand.u32 $0x4000, s0;
	_ =	swait.ge [sflag:s17], $0x4000  }
0x40: {  	s31 =	smov.u32 s5;
	s28 =	sadd.s32 $0x100, s28;
	[sflag:s17] =	ssyncset.done $0x0  }
0x41: {  	s0 =	sxor.u32 $0x7C00, s30;
	[sflag:s17] =	ssyncadd.s32 $0xFFFFC000  }
0x42: {  	[tilespmem:s0], [sflag:$0x1] =	stream.indirect.gather [hbm4b:s4+s18], $0x80, s29, s18, $0xb8;
	[tilespmem:$0x1FC00] =	vst v63  }
0x43: {  	s5 =	sor.u32 $0x3C00, s30;
	s1 =	sadd.s32 $0xFFFFFF80, s28  }
0x44: {  	[spmem:s2] =	stream.indirect.scatter.add.f32 [tilespmem:s5], [sflag:$0x2], $0x80, s1, s19, $0xb8;
	[tilespmem:$0x1FC00] =	vst v63  }
0x45: {  	s1 =	sadd.s32 $0x5C00, s30  }
0x46: {  	[spmem:s2] =	stream.indirect.scatter.add.f32 [tilespmem:s1], [sflag:$0x3], $0x80, s28, s19, $0xb8;
	[tilespmem:$0x1FC00] =	vst v63  }
0x47: {  	_ =	swait.ge [sflag:s20], $0x2000  }
0x48: {  	[sflag:s20] =	ssyncset.done $0x0  }
0x49: {  	[sflag:s20] =	ssyncadd.s32 $0xFFFFE000  }
0x4a: {  	_ =	swait.ge [sflag:s21], $0x2000  }
0x4b: {  	[sflag:s21] =	ssyncset.done $0x0  }
0x4c: {  	[sflag:s21] =	ssyncadd.s32 $0xFFFFE000  }
0x4d: {  	_ =	swait.ge [sflag:s17], $0x4000  }
0x4e: {  	[sflag:s17] =	ssyncset.done $0x0  }
0x4f: {  	s0 =	simm.s32 $0x80;
	s5 =	simm.s32 $0x0;
	[sflag:s17] =	ssyncadd.s32 $0xFFFFC000  }
0x50: {  	[tilespmem:s16], [sflag:$0x1] =	stream.indirect.gather [hbm4b:s4+s0], $0x80, s5, s0, $0xb8;
	[tilespmem:$0x1FC00] =	vst v63  }
0x51: {  	_ = 	snop  }
0x52: {  	[spmem:s2] =	stream.indirect.scatter.add.f32 [tilespmem:s23], [sflag:$0x2], $0x80, s22, s19, $0xb8;
	[tilespmem:$0x1FC00] =	vst v63  }
0x53: {  	_ = 	snop  }
0x54: {  	[spmem:s2] =	stream.indirect.scatter.add.f32 [tilespmem:s25], [sflag:$0x3], $0x80, s24, s19, $0xb8;
	[tilespmem:$0x1FC00] =	vst v63  }
0x55: {  	_ =	swait.ge [sflag:s20], $0x2000  }
0x56: {  	[sflag:s20] =	ssyncset.done $0x0  }
0x57: {  	[sflag:s20] =	ssyncadd.s32 $0xFFFFE000  }
0x58: {  	_ =	swait.ge [sflag:s21], $0x2000  }
0x59: {  	[sflag:s21] =	ssyncset.done $0x0  }
0x5a: {  	[sflag:s21] =	ssyncadd.s32 $0xFFFFE000  }
0x5b: {  	_ =	swait.ge [sflag:s17], $0x4000  }
0x5c: {  	[sflag:s17] =	ssyncset.done $0x0  }
0x5d: {  	[sflag:s17] =	ssyncadd.s32 $0xFFFFC000  }
0x5e: {  	[tilespmem:s5], [sflag:$0x4] =	stream.linear.gather [hbm4b:s11+s5], $0x1400, $0x38;
	[tilespmem:$0x1FC00] =	vst v63  }
0x5f: {  	_ =	swait.ge [sflag:s14], $0x1400  }
0x60: {  	[sflag:s14] =	ssyncset.done $0x0  }
0x61: {  	[sflag:s14] =	ssyncadd.s32 $0xFFFFEC00  }
0x62: {  	[tilespmem:s15], [sflag:$0x4] =	stream.linear.gather [hbm4b:s12+s5], $0x2800, $0x38;
	[tilespmem:$0x1FC00] =	vst v63  }
0x63: {  	_ =	swait.ge [sflag:s14], $0x2800  }
0x64: {  	[sflag:s14] =	ssyncset.done $0x0  }
0x65: {  	[sflag:s14] =	ssyncadd.s32 $0xFFFFD800  }
0x66: {  	[tilespmem:s16], [sflag:$0x1] =	stream.indirect.gather [hbm4b:s4+s0], $0x80, s5, s0, $0xb8;
	[tilespmem:$0x1FC00] =	vst v63  }
0x67: {  	s5 =	simm.s32 $0x0;
	_ =	swait.ge [sflag:s17], $0x4000  }
0x68: {  	s1 =	sand.u32 $0x4000, s5;
	[sflag:s17] =	ssyncset.done $0x0  }
0x69: {  	s5 =	sxor.u32 $0x7C00, s1;
	[sflag:s17] =	ssyncadd.s32 $0xFFFFC000  }
0x6a: {  	[tilespmem:s5], [sflag:$0x1] =	stream.indirect.gather [hbm4b:s4+s18], $0x80, s0, s18, $0xb8;
	[tilespmem:$0x1FC00] =	vst v63  }
0x6b: {  	s0 =	sor.u32 $0x3C00, s1;
	s5 =	simm.s32 $0x1400  }
0x6c: {  	[spmem:s2] =	stream.indirect.scatter.add.f32 [tilespmem:s0], [sflag:$0x2], $0x80, s5, s19, $0xb8;
	[tilespmem:$0x1FC00] =	vst v63  }
0x6d: {  	s1 =	sadd.s32 $0x5C00, s1;
	s5 =	simm.s32 $0x1480  }
0x6e: {  	[spmem:s2] =	stream.indirect.scatter.add.f32 [tilespmem:s1], [sflag:$0x3], $0x80, s5, s19, $0xb8;
	[tilespmem:$0x1FC00] =	vst v63  }
0x6f: {  	_ =	swait.ge [sflag:s20], $0x2000  }
0x70: {  	[sflag:s20] =	ssyncset.done $0x0  }
0x71: {  	[sflag:s20] =	ssyncadd.s32 $0xFFFFE000  }
0x72: {  	_ =	swait.ge [sflag:s21], $0x2000  }
0x73: {  	[sflag:s21] =	ssyncset.done $0x0  }
0x74: {  	s31 =	simm.s32 $0x100;
	[sflag:s21] =	ssyncadd.s32 $0xFFFFE000  }
0x75: {  	s29 =	simm.s32 $0x100;
	s5 =	simm.s32 $0x4000;
	_ =	swait.ge [sflag:s17], $0x4000  }
0x76: {  	s28 =	simm.s32 $0x1580;
	s30 =	sand.u32 $0x4000, s5;
	[sflag:s17] =	ssyncset.done $0x0  }
.LBB2_4:
0x77: {  	s0 =	sxor.u32 $0x7C00, s30  }
0x78: {  	[sflag:s17] =	ssyncadd.s32 $0xFFFFC000;
	s1 =	smov.u32 s31;
	s5 =	sadd.s32 $0x80, s31  }
0x79: {  	[tilespmem:s0], [sflag:$0x1] =	stream.indirect.gather [hbm4b:s4+s18], $0x80, s29, s18, $0xb8;
	[tilespmem:$0x1FC00] =	vst v63  }
0x7a: {  	p0 =	sne.s32 s31, $0x1300;
	s31 =	sadd.s32 $0xFFFFFF80, s28;
	s0 =	sor.u32 $0x3C00, s30  }
0x7b: {  	[spmem:s2] =	stream.indirect.scatter.add.f32 [tilespmem:s0], [sflag:$0x2], $0x80, s31, s19, $0xb8;
	[tilespmem:$0x1FC00] =	vst v63  }
0x7c: {  	s0 =	sadd.s32 $0x5C00, s30  }
0x7d: {  	[spmem:s2] =	stream.indirect.scatter.add.f32 [tilespmem:s0], [sflag:$0x3], $0x80, s28, s19, $0xb8;
	[tilespmem:$0x1FC00] =	vst v63  }
0x7e: {  	_ =	swait.ge [sflag:s20], $0x2000  }
0x7f: {  	[sflag:s20] =	ssyncset.done $0x0  }
0x80: {  	[sflag:s20] =	ssyncadd.s32 $0xFFFFE000  }
.Ltmp1:
0x81: {  	_ =	swait.ge [sflag:s21], $0x2000;
	(pc) =	sbr.rel @p0 .LBB2_4-.Ltmp1, $4  }
0x82: {  	[sflag:s21] =	ssyncset.done $0x0  }
0x83: {  	s29 =	sadd.s32 $0x80, s29;
	[sflag:s21] =	ssyncadd.s32 $0xFFFFE000  }
0x84: {  	s31 =	smov.u32 s5;
	s0 =	sshll.u32 s1, $0x7;
	_ =	swait.ge [sflag:s17], $0x4000  }
0x85: {  	s28 =	sadd.s32 $0x100, s28;
	s30 =	sand.u32 $0x4000, s0;
	[sflag:s17] =	ssyncset.done $0x0  }
0x86: {  	s0 =	sxor.u32 $0x7C00, s30;
	[sflag:s17] =	ssyncadd.s32 $0xFFFFC000  }
0x87: {  	[tilespmem:s0], [sflag:$0x1] =	stream.indirect.gather [hbm4b:s4+s18], $0x80, s29, s18, $0xb8;
	[tilespmem:$0x1FC00] =	vst v63  }
0x88: {  	s1 =	sadd.s32 $0xFFFFFF80, s28;
	s29 =	sor.u32 $0x3C00, s30  }
0x89: {  	[spmem:s2] =	stream.indirect.scatter.add.f32 [tilespmem:s29], [sflag:$0x2], $0x80, s1, s19, $0xb8;
	[tilespmem:$0x1FC00] =	vst v63  }
0x8a: {  	s31 =	sadd.s32 $0x5C00, s30  }
0x8b: {  	[spmem:s2] =	stream.indirect.scatter.add.f32 [tilespmem:s31], [sflag:$0x3], $0x80, s28, s19, $0xb8;
	[tilespmem:$0x1FC00] =	vst v63  }
0x8c: {  	_ =	swait.ge [sflag:s20], $0x2000  }
0x8d: {  	[sflag:s20] =	ssyncset.done $0x0  }
0x8e: {  	[sflag:s20] =	ssyncadd.s32 $0xFFFFE000  }
0x8f: {  	_ =	swait.ge [sflag:s21], $0x2000  }
0x90: {  	[sflag:s21] =	ssyncset.done $0x0  }
0x91: {  	[sflag:s21] =	ssyncadd.s32 $0xFFFFE000  }
0x92: {  	_ =	swait.ge [sflag:s17], $0x4000  }
0x93: {  	[sflag:s17] =	ssyncset.done $0x0  }
0x94: {  	[sflag:s17] =	ssyncadd.s32 $0xFFFFC000  }
0x95: {  	[tilespmem:s16], [sflag:$0x1] =	stream.indirect.gather [hbm4b:s4+s18], $0x80, s3, s18, $0xb8;
	[tilespmem:$0x1FC00] =	vst v63  }
0x96: {  	_ = 	snop  }
0x97: {  	[spmem:s2] =	stream.indirect.scatter.add.f32 [tilespmem:s23], [sflag:$0x2], $0x80, s22, s19, $0xb8;
	[tilespmem:$0x1FC00] =	vst v63  }
0x98: {  	_ = 	snop  }
0x99: {  	[spmem:s2] =	stream.indirect.scatter.add.f32 [tilespmem:s25], [sflag:$0x3], $0x80, s24, s19, $0xb8;
	[tilespmem:$0x1FC00] =	vst v63  }
0x9a: {  	_ =	swait.ge [sflag:s20], $0x2000  }
0x9b: {  	[sflag:s20] =	ssyncset.done $0x0  }
0x9c: {  	[sflag:s20] =	ssyncadd.s32 $0xFFFFE000  }
0x9d: {  	_ =	swait.ge [sflag:s21], $0x2000  }
0x9e: {  	[sflag:s21] =	ssyncset.done $0x0  }
0x9f: {  	[sflag:s21] =	ssyncadd.s32 $0xFFFFE000  }
0xa0: {  	_ =	swait.ge [sflag:s17], $0x4000  }
0xa1: {  	s26 =	sadd.s32 $0x1, s26;
	[sflag:s17] =	ssyncset.done $0x0  }
0xa2: {  	p0 =	sne.s32 s26, s9;
	[sflag:s17] =	ssyncadd.s32 $0xFFFFC000  }
.Ltmp2:
0xa3: {  	[bflag:$0x0] =	sbarrier.arrive $0xFFFF;
	(pc) =	sbr.rel @p0 .LBB2_1-.Ltmp2, $4  }
0xa4: {  	[hbm:s7], [sflag:s6] =	dma.local [spmem:s13], $0x2800  }
0xa5: {  	_ =	swait.ge [sflag:s14], $0x2800  }
0xa6: {  	[sflag:s14] =	ssyncset.done $0x0  }
0xa7: {  	[sflag:s14] =	ssyncadd.s32 $0xFFFFD800  }
0xa8: {  	_ =	sfence.sel $0x180000  }
0xa9: {  	[bflag:$0x0] =	sbarrier.arrive $0xFFFF  }
0xaa: {  	_ =	strace $0x9000004A  }
0xab: {  	s0 =	stileid.u32;
	[bflag:$0x2] =	sbarrier.arrive $0xFFFF  }
0xac: {  	p0 =	sne.s32 s0, $0x0;
	s0 =	rddreg [dreg:$0x3]  }
0xad: {  	s0 =	sadd.s32 @!p0 $0x100000, s0  }
0xae: {  	[sflag:s0] =	ssyncadd.tile.s32 @!p0 $0x1;
	_ =	shalt  }
.Lfunc_end2:
_tile_overlayer_lowered:
.L_overlay_start_2:
0xaf: {  	(tag) =	ssettag $0x2  }
0xb0: {  	s0 =	rddreg [dreg:$0x0];
	s2 =	stileid.u32  }
0xb1: {  	s1 =	rddreg [dreg:$0x1];
	p0 =	sne.s32 s2, $0x0  }
0xb2: {  	s3 =	rddreg [dreg:$0x2];
	[bflag:$0x3] =	sbarrier.arrive $0xFFFF;
	s2 =	simm.s32 @!p0 $0x1C04  }
0xb3: {  	[timem:s3], [sflag:s2] =	dma.local @!p0 [hbm:s0], s1  }
0xb4: {  	s0 =	simm.s32 @!p0 $0x4  }
0xb5: {  	_ =	swait.ge @!p0 [sflag:s0], s1  }
0xb6: {  	s1 =	ssub.s32 @!p0 $0x0, s1;
	[sflag:s0] =	ssyncset.done @!p0 $0x0  }
0xb7: {  	[sflag:s0] =	ssyncadd.s32 @!p0 s1  }
0xb8: {  	[bflag:$0x3] =	sbarrier.arrive $0xFFFF  }
0xb9: {  	_ =	shalt  }

// kernel: kernel.14.cloned.1.call-start
scs
__scs_entry_jumppad:
0x0: {  	(pc) =	sbr.rel $0x88, $3  }
0x1: {  	(tag) =	ssettag $0x0;
	lr =	simm.s32 $0x1  }
0x2: {  	[smem:$0x3F99] =	sst lr;
	_ =	strace $0xD0000000  }
0x3: {  	_ = 	snop  }
0x4: {  	_ = 	snop  }
0x5: {  	_ = 	snop  }
0x6: {  	_ = 	snop  }
0x7: {  	_ = 	snop  }
__scs_overlays_trampoline_lowered:
0x8: {  	[smem:$0x3FA8] =	sst s0  }
0x9: {  	[smem:$0x3FA9] =	sst s1  }
0xa: {  	[smem:$0x3FAA] =	sst s2  }
0xb: {  	[smem:$0x3FAB] =	sst s3  }
0xc: {  	[smem:$0x3FAC] =	sst s4  }
0xd: {  	[smem:$0x3FAD] =	sst s5  }
0xe: {  	[smem:$0x3FAE] =	sst s6  }
0xf: {  	[smem:$0x3FAF] =	sst s7  }
0x10: {  	[smem:$0x3FB0] =	sst s8  }
0x11: {  	[smem:$0x3FB1] =	sst s9;
	s0 =	simm.s32 @!p0 $0x0  }
0x12: {  	s1 =	sld [smem:$0x3F97];
	s0 =	simm.s32 @p0 $0x1  }
0x13: {  	[smem:$0x3FB2] =	sst s0;
	s0 =	simm.s32 @!p1 $0x0  }
0x14: {  	s2 =	sld [smem:$0x3F96];
	s0 =	simm.s32 @p1 $0x1  }
0x15: {  	[smem:$0x3FB3] =	sst s0;
	s0 =	simm.s32 @!p2 $0x0  }
0x16: {  	s3 =	sld [smem:$0x3FDB];
	s0 =	simm.s32 @p2 $0x1  }
0x17: {  	s4 =	simm.s32 $0x1BF5;
	[smem:$0x3FB5] =	sst s0  }
0x18: {  	s0 =	sld [smem:$0x3F98];
	_ =	swait.ge [sflag:s4], $0x0  }
0x19: {  	s7 =	sld [smem:$0x3F99]  }
0x1a: {  	s8 =	sadd.s32 $0xFFFFE003, lr  }
0x1b: {  	s9 =	sadd.s32 $0xFFFFFEF7, lr;
	s5 =	simm.s32 $0xFFFFFFFF;
	p2 =	slt.u32 s8, $0xFFFFF086  }
0x1c: {  	p1 =	slt.u32 s9, $0xF7A;
	s5 =	simm.s32 @!p2 $0x0  }
0x1d: {  	s5 =	simm.s32 @p1 $0x1;
	p0 =	seq.s32 s7, s2  }
0x1e: {  	s7 =	smul.u32 @!p0 $0xF7A, s2;
	p2 =	seq.s32 @!p0 s5, $0x0  }
0x1f: {  	s9 =	smul.u32 $0xF7A, s1;
	s8 =	simm.s32 @!p0 $0x1BF5;
	p2 =	por !p2, p0  }
0x20: {  	[sflag:s8] =	ssyncset.s32 @!p0 $0xFFFFF086;
	s6 =	sadd.s32 @!p0 s3, s7;
	s7 =	simm.s32 @!p0 $0x108  }
0x21: {  	s3 =	sadd.s32 s3, s9;
	s6 =	sadd.s32 @!p0 $0x88, s6;
	s7 =	simm.s32 @p2 $0x1082  }
0x22: {  	[simem:s7], [sflag:s8] =	dma.local @!p0 [hbm:s6], $0xF7A  }
0x23: {  	s9 =	sor.u32 $0xD0000000, s2;
	s6 =	simm.s32 $0x108;
	_ =	swait.ge @!p0 [sflag:s8], $0x0  }
0x24: {  	s3 =	sadd.s32 $0x88, s3;
	s6 =	simm.s32 @!p1 $0x1082;
	[sflag:s4] =	ssyncset.s32 $0xFFFFF086  }
0x25: {  	[simem:s6], [sflag:s4] =	dma.local [hbm:s3], $0xF7A  }
0x26: {  	[smem:$0x3F99] =	sst s1;
	(tag) =	ssettag s2;
	_ =	strace s9  }
0x27: {  	s1 =	sld [smem:$0x3FA9]  }
0x28: {  	s2 =	sld [smem:$0x3FAA]  }
0x29: {  	s4 =	sld [smem:$0x3FAC]  }
0x2a: {  	p0 =	seq.s32 s5, $0x0;
	s5 =	sld [smem:$0x3FAD]  }
0x2b: {  	s6 =	sld [smem:$0x3FAE]  }
0x2c: {  	s7 =	sld [smem:$0x3FAF]  }
0x2d: {  	s3 =	simm.s32 $0x108;
	s8 =	sld [smem:$0x3FB0]  }
0x2e: {  	s3 =	simm.s32 @!p0 $0x1082;
	s9 =	sld [smem:$0x3FB1]  }
0x2f: {  	lr =	sadd.s32 s0, s3;
	s0 =	sld [smem:$0x3FA8]  }
0x30: {  	s3 =	sld [smem:$0x3FAB]  }
0x31: {  	[smem:$0x3FB4] =	sst s10  }
0x32: {  	s10 =	sld [smem:$0x3FB2];
	_ =	sdelay $0x3  }
0x33: {  	p0 =	seq.s32 s10, $0x1;
	s10 =	sld [smem:$0x3FB4];
	_ =	sdelay $0x3  }
0x34: {  	[smem:$0x3FB4] =	sst s10  }
0x35: {  	s10 =	sld [smem:$0x3FB3];
	_ =	sdelay $0x3  }
0x36: {  	p1 =	seq.s32 s10, $0x1;
	s10 =	sld [smem:$0x3FB4];
	_ =	sdelay $0x3  }
0x37: {  	[smem:$0x3FB4] =	sst s10  }
0x38: {  	s10 =	sld [smem:$0x3FB5]  }
0x39: {  	_ = 	snop;
	(pc) =	sbr.ind lr, $3  }
0x3a: {  	_ = 	snop  }
0x3b: {  	_ = 	snop  }
0x3c: {  	p2 =	seq.s32 s10, $0x1;
	s10 =	sld [smem:$0x3FB4]  }
0x3d: {  	_ =	shalt  }
0x3e: {  	_ =	shalt  }
0x3f: {  	_ =	shalt  }
0x40: {  	_ =	shalt  }
0x41: {  	_ =	shalt  }
0x42: {  	_ =	shalt  }
0x43: {  	_ =	shalt  }
0x44: {  	_ =	shalt  }
0x45: {  	_ =	shalt  }
0x46: {  	_ =	shalt  }
0x47: {  	_ =	shalt  }
0x48: {  	_ =	shalt  }
0x49: {  	_ =	shalt  }
0x4a: {  	_ =	shalt  }
0x4b: {  	_ =	shalt  }
0x4c: {  	_ =	shalt  }
0x4d: {  	_ =	shalt  }
0x4e: {  	_ =	shalt  }
0x4f: {  	_ =	shalt  }
0x50: {  	_ =	shalt  }
0x51: {  	_ =	shalt  }
0x52: {  	_ =	shalt  }
0x53: {  	_ =	shalt  }
0x54: {  	_ =	shalt  }
0x55: {  	_ =	shalt  }
0x56: {  	_ =	shalt  }
0x57: {  	_ =	shalt  }
0x58: {  	_ =	shalt  }
0x59: {  	_ =	shalt  }
0x5a: {  	_ =	shalt  }
0x5b: {  	_ =	shalt  }
0x5c: {  	_ =	shalt  }
0x5d: {  	_ =	shalt  }
0x5e: {  	_ =	shalt  }
0x5f: {  	_ =	shalt  }
0x60: {  	_ =	shalt  }
0x61: {  	_ =	shalt  }
0x62: {  	_ =	shalt  }
0x63: {  	_ =	shalt  }
0x64: {  	_ =	shalt  }
0x65: {  	_ =	shalt  }
0x66: {  	_ =	shalt  }
0x67: {  	_ =	shalt  }
0x68: {  	_ =	shalt  }
0x69: {  	_ =	shalt  }
0x6a: {  	_ =	shalt  }
0x6b: {  	_ =	shalt  }
0x6c: {  	_ =	shalt  }
0x6d: {  	_ =	shalt  }
0x6e: {  	_ =	shalt  }
0x6f: {  	_ =	shalt  }
0x70: {  	_ =	shalt  }
0x71: {  	_ =	shalt  }
0x72: {  	_ =	shalt  }
0x73: {  	_ =	shalt  }
0x74: {  	_ =	shalt  }
0x75: {  	_ =	shalt  }
0x76: {  	_ =	shalt  }
0x77: {  	_ =	shalt  }
0x78: {  	_ =	shalt  }
0x79: {  	_ =	shalt  }
0x7a: {  	_ =	shalt  }
0x7b: {  	_ =	shalt  }
0x7c: {  	_ =	shalt  }
0x7d: {  	_ =	shalt  }
0x7e: {  	_ =	shalt  }
0x7f: {  	_ =	shalt  }
0x80: {  	_ =	shalt  }
0x81: {  	_ =	shalt  }
0x82: {  	_ =	shalt  }
0x83: {  	_ =	shalt  }
0x84: {  	_ =	shalt  }
0x85: {  	_ =	shalt  }
0x86: {  	_ =	shalt  }
0x87: {  	_ =	shalt  }
.Lfunc_end0:
.L_simem_size_0:
called_computation.2_lowered:
.L_overlay_start_0:
0x88: {  	s2 =	sld [smem:$0x3FD9]  }
0x89: {  	s3 =	sld [smem:$0x3FFE];
	_ =	sdelay $0x1  }
0x8a: {  	s1 =	srdreg.scid  }
0x8b: {  	s0 =	sand.u32 $0x1, s1  }
0x8c: {  	s17 =	sshll.u32 s0, $0xA;
	s2 =	sadd.s32 s3, s2  }
0x8d: {  	s2 =	sadd.s32 s2, s17  }
0x8e: {  	[smem:$0x3FC0] =	sst s2  }
0x8f: {  	_ = 	snop  }
0x90: {  	s2 =	sld [smem:$0x3FD0];
	(tm) =	ssettm $0x1  }
0x91: {  	s18 =	sld [smem:$0x3FFB];
	_ =	sdelay $0x3  }
0x92: {  	_ =	strace s18  }
0x93: {  	s3 =	sld [smem:$0x3FFC];
	_ =	sdelay $0x3  }
0x94: {  	_ =	strace s3  }
0x95: {  	s3 =	sld [smem:$0x3FFD];
	_ =	sdelay $0x3  }
0x96: {  	_ =	strace s3  }
0x97: {  	_ =	strace $0x8FFFFFFF  }
0x98: {  	s19 =	sld [smem:$0x3FDB];
	_ =	sdelay $0x1  }
0x99: {  	s4 =	simm.s32 $_scs_section_size  }
0x9a: {  	s5 =	simm.s32 $_size__tile_overlayer_lowered;
	s6 =	simm.s32 $_tile_overlayer_lowered  }
0x9b: {  	s22 =	simm.s32 $0x1BFF;
	s21 =	sshll.u32 s6, $0x1;
	s3 =	sadd.s32 s4, s19  }
0x9c: {  	s7 =	simm.s32 $0x0;
	s20 =	sshll.u32 s5, $0x1;
	s5 =	sadd.s32 s21, s3  }
0x9d: {  	[timem:s7], [sflag:s22] =	dma.local [hbm:s5], s20  }
0x9e: {  	_ =	swait.ge [sflag:s22], s20  }
0x9f: {  	s4 =	ssub.s32 $0x0, s20;
	[sflag:s22] =	ssyncset.done $0x0  }
0xa0: {  	[sflag:s22] =	ssyncadd.s32 s4;
	_ =	sdelay $0x1  }
0xa1: {  	s23 =	simm.s32 $0x1B8B  }
0xa2: {  	_ =	swait.ge [sflag:s23], $0x1  }
0xa3: {  	[sflag:s23] =	ssyncset.done $0x0  }
0xa4: {  	s25 =	simm.s32 $0x1B8E;
	s24 =	sld [smem:$0x3FFE];
	[sflag:s23] =	ssyncadd.s32 $0xFFFFFFFF  }
0xa5: {  	s26 =	simm.s32 $execute0_lowered;
	[smem:$0x3FD2] =	sst s25  }
0xa6: {  	s5 =	sshll.u32 s26, $0x1;
	_ =	strace $0x8000004C;
	[dreg:$0x1] =	wrdreg $0xFFFFFFFF  }
0xa7: {  	s28 =	simm.s32 $_size_execute0_lowered;
	s3 =	sadd.s32 s3, s5;
	[dreg:$0x0] =	wrdreg $0x0  }
0xa8: {  	s5 =	sshll.u32 s28, $0x1;
	[dreg:$0x2] =	wrdreg s3  }
0xa9: {  	[dreg:$0x3] =	wrdreg s5  }
0xaa: {  	[dreg:$0x4] =	wrdreg $0xC0  }
0xab: {  	_ =	task [dreg:s7], $0x5FFFF  }
0xac: {  	[dreg:$0x1] =	wrdreg $0xFFFFFFFF  }
0xad: {  	[dreg:$0x0] =	wrdreg $0x60  }
0xae: {  	[dreg:$0x2] =	wrdreg s24  }
0xaf: {  	[dreg:$0x3] =	wrdreg s2  }
0xb0: {  	[dreg:$0x4] =	wrdreg $0xBC000  }
0xb1: {  	[dreg:$0x5] =	wrdreg $0x9  }
0xb2: {  	_ =	task.clear_ibuf [dreg:s7], $0x6FFFF;
	_ =	strace $0x9000004C  }
0xb3: {  	s29 =	simm.s32 $0x9;
	_ =	strace $0x8000004E  }
0xb4: {  	_ =	swait.ge [sflag:s29], $0x1  }
0xb5: {  	[sflag:s29] =	ssyncadd.s32 $0xFFFFFFFF  }
0xb6: {  	_ =	strace $0x9000004E  }
0xb7: {  	_ =	sfence  }
0xb8: {  	s30 =	sld [smem:$0x0];
	_ =	sdelay $0x2  }
0xb9: {  	s31 =	sshll.u32 s1, $0xD;
	s1 =	sshrl.u32 s1, $0x2  }
0xba: {  	s3 =	sand.u32 $0x4000, s31;
	s1 =	sadd.s32 s1, s30  }
0xbb: {  	s0 =	sor.u32 s3, s0;
	s1 =	sshll.u32 s1, $0x11  }
0xbc: {  	s0 =	sor.u32 s1, s0  }
0xbd: {  	s0 =	sadd.s32 $0x8F2B, s0  }
0xbe: {  	[sflag:s0] =	ssyncadd.remote.s32 $0x1  }
0xbf: {  	_ =	sfence.sel $0xFFFF  }
0xc0: {  	[dreg:$0x0] =	wrdreg $0xFFFFFFFF;
	(pc) =	sbr.abs _section_cstart, $3  }
0xc1: {  	[dreg:$0x1] =	wrdreg $0xFFFFFFFF  }
0xc2: {  	_ =	task.clear_ibuf [dreg:s7], $0x2FFFF;
	_ =	strace $0x9FFFFFFF  }
0xc3: {  	(tm) =	ssettm $0x7FFFFFFF  }
tec
execute0_lowered:
.L_overlay_start_1:
0x0: {  	(tag) =	ssettag $0x1  }
0x1: {  	s5 =	rddreg [dreg:$0x0]  }
0x2: {  	s8 =	rddreg [dreg:$0x1];
	s0 =	stileid.u32  }
0x3: {  	s1 =	srdreg.scid;
	s2 =	rddreg [dreg:$0x2];
	s3 =	simm.s32 $0x0  }
0x4: {  	s16 =	simm.s32 $0x3C00;
	s17 =	simm.s32 $0x1;
	s18 =	simm.s32 $0x80  }
0x5: {  	s19 =	simm.s32 $0x40;
	s20 =	simm.s32 $0x2;
	s6 =	smul.u32 $0xA00, s0  }
0x6: {  	s21 =	simm.s32 $0x3;
	s22 =	simm.s32 $0x3B00;
	s10 =	smul.u32 $0x280, s0  }
0x7: {  	s23 =	simm.s32 $0x7C00;
	s7 =	sand.u32 $0x1, s1;
	s11 =	smul.u32 $0x50000, s0  }
0x8: {  	[smem:$0x7FF] =	sst s3;
	s4 =	sadd.s32 $0x11A00, s5;
	s26 =	smul.u32 $0x50, s0  }
0x9: {  	s31 =	sshll.u32 s0, $0x6;
	s9 =	smul.u32 $0x2800, s7;
	_ =	strace $0x8000004D  }
0xa: {  	s25 =	smul.u32 $0x500, s7;
	s7 =	ssub.s32 $0x2, s7;
	s12 =	sadd.s32 s6, s5  }
0xb: {  	s28 =	sshrl.u32 s7, $0x1;
	s11 =	sshrl.u32 s11, $0x2;
	s24 =	sadd.s32 s10, s9  }
0xc: {  	s14 =	ssub.s32 s7, s28;
	s15 =	sadd.s32 s11, s2;
	s29 =	sadd.s32 s26, s25  }
0xd: {  	s10 =	sadd.s32 $0x7A00, s12;
	s12 =	sadd.s32 $0x7F00, s12;
	s25 =	simm.s32 $0x9C00  }
0xe: {  	s26 =	simm.s32 $0x0;
	s6 =	sshll.u32 s24, $0x4;
	s9 =	sshll.u32 s29, $0x4  }
0xf: {  	s24 =	simm.s32 $0x3B80;
	s13 =	sadd.s32 s6, s5;
	s30 =	sadd.s32 s4, s6  }
0x10: {  	s6 =	sor.u32 $0x1C04, s31;
	s8 =	sadd.s32 s8, s9;
	s9 =	smax.u32 s14, $0x1  }
0x11: {  	s14 =	simm.s32 $0x4;
	[dreg:$0x4] =	wrdreg s30;
	s7 =	sadd.s32 $0x61A00, s13  }
0x12: {  	s11 =	sadd.s32 $0x280, s8;
	s13 =	sshrl.u32 s15, $0x3;
	s15 =	simm.s32 $0x1400  }
.LBB2_1:
0x13: {  	s0 =	rddreg [dreg:$0x4]  }
0x14: {  	[spmem:s13], [sflag:s6] =	dma.local [hbm:s0], $0x2800  }
0x15: {  	_ =	swait.ge [sflag:s14], $0x2800  }
0x16: {  	[sflag:s14] =	ssyncset.done $0x0  }
0x17: {  	[sflag:s14] =	ssyncadd.s32 $0xFFFFD800  }
0x18: {  	[bflag:$0x0] =	sbarrier.arrive $0xFFFF  }
0x19: {  	[tilespmem:s3], [sflag:$0x4] =	stream.linear.gather [hbm4b:s8+s3], $0x1400, $0x38;
	[tilespmem:$0x1FC00] =	vst v63  }
0x1a: {  	_ =	swait.ge [sflag:s14], $0x1400  }
0x1b: {  	[sflag:s14] =	ssyncset.done $0x0  }
0x1c: {  	[sflag:s14] =	ssyncadd.s32 $0xFFFFEC00  }
0x1d: {  	[tilespmem:s15], [sflag:$0x4] =	stream.linear.gather [hbm4b:s10+s3], $0x2800, $0x38;
	[tilespmem:$0x1FC00] =	vst v63  }
0x1e: {  	_ =	swait.ge [sflag:s14], $0x2800  }
0x1f: {  	[sflag:s14] =	ssyncset.done $0x0  }
0x20: {  	[sflag:s14] =	ssyncadd.s32 $0xFFFFD800  }
0x21: {  	[tilespmem:s16], [sflag:$0x1] =	stream.indirect.gather [hbm4b:s4+s18], $0x80, s3, s18, $0xb8;
	[tilespmem:$0x1FC00] =	vst v63  }
0x22: {  	s28 =	simm.s32 $0x0;
	_ =	swait.ge [sflag:s17], $0x4000  }
0x23: {  	s28 =	sand.u32 $0x4000, s28;
	[sflag:s17] =	ssyncset.done $0x0  }
0x24: {  	s29 =	sxor.u32 $0x7C00, s28;
	[sflag:s17] =	ssyncadd.s32 $0xFFFFC000  }
0x25: {  	[tilespmem:s29], [sflag:$0x1] =	stream.indirect.gather [hbm4b:s4+s18], $0x80, s18, s18, $0xb8;
	[tilespmem:$0x1FC00] =	vst v63  }
0x26: {  	s30 =	simm.s32 $0x1400;
	s29 =	sor.u32 $0x3C00, s28  }
0x27: {  	[spmem:s2] =	stream.indirect.scatter.add.f32 [tilespmem:s29], [sflag:$0x2], $0x80, s30, s19, $0xb8;
	[tilespmem:$0x1FC00] =	vst v63  }
0x28: {  	s28 =	sadd.s32 $0x5C00, s28;
	s29 =	simm.s32 $0x1480  }
0x29: {  	[spmem:s2] =	stream.indirect.scatter.add.f32 [tilespmem:s28], [sflag:$0x3], $0x80, s29, s19, $0xb8;
	[tilespmem:$0x1FC00] =	vst v63  }
0x2a: {  	_ =	swait.ge [sflag:s20], $0x2000  }
0x2b: {  	[sflag:s20] =	ssyncset.done $0x0  }
0x2c: {  	[sflag:s20] =	ssyncadd.s32 $0xFFFFE000  }
0x2d: {  	_ =	swait.ge [sflag:s21], $0x2000  }
0x2e: {  	[sflag:s21] =	ssyncset.done $0x0  }
0x2f: {  	s31 =	simm.s32 $0x100;
	[sflag:s21] =	ssyncadd.s32 $0xFFFFE000  }
0x30: {  	s28 =	simm.s32 $0x4000;
	s29 =	simm.s32 $0x100;
	_ =	swait.ge [sflag:s17], $0x4000  }
0x31: {  	s30 =	sand.u32 $0x4000, s28;
	s28 =	simm.s32 $0x1580;
	[sflag:s17] =	ssyncset.done $0x0  }
.LBB2_2:
0x32: {  	s1 =	sxor.u32 $0x7C00, s30  }
0x33: {  	[sflag:s17] =	ssyncadd.s32 $0xFFFFC000;
	s0 =	smov.u32 s31;
	s5 =	sadd.s32 $0x80, s31  }
0x34: {  	[tilespmem:s1], [sflag:$0x1] =	stream.indirect.gather [hbm4b:s4+s18], $0x80, s29, s18, $0xb8;
	[tilespmem:$0x1FC00] =	vst v63  }
0x35: {  	p0 =	sne.s32 s31, $0x1300;
	s31 =	sadd.s32 $0xFFFFFF80, s28;
	s1 =	sor.u32 $0x3C00, s30  }
0x36: {  	[spmem:s2] =	stream.indirect.scatter.add.f32 [tilespmem:s1], [sflag:$0x2], $0x80, s31, s19, $0xb8;
	[tilespmem:$0x1FC00] =	vst v63  }
0x37: {  	s1 =	sadd.s32 $0x5C00, s30  }
0x38: {  	[spmem:s2] =	stream.indirect.scatter.add.f32 [tilespmem:s1], [sflag:$0x3], $0x80, s28, s19, $0xb8;
	[tilespmem:$0x1FC00] =	vst v63  }
0x39: {  	_ =	swait.ge [sflag:s20], $0x2000  }
0x3a: {  	[sflag:s20] =	ssyncset.done $0x0  }
0x3b: {  	[sflag:s20] =	ssyncadd.s32 $0xFFFFE000  }
.Ltmp0:
0x3c: {  	_ =	swait.ge [sflag:s21], $0x2000;
	(pc) =	sbr.rel @p0 .LBB2_2-.Ltmp0, $4  }
0x3d: {  	[sflag:s21] =	ssyncset.done $0x0  }
0x3e: {  	s0 =	sshll.u32 s0, $0x7;
	[sflag:s21] =	ssyncadd.s32 $0xFFFFE000  }
0x3f: {  	s29 =	sadd.s32 $0x80, s29;
	s30 =	sand.u32 $0x4000, s0;
	_ =	swait.ge [sflag:s17], $0x4000  }
0x40: {  	s31 =	smov.u32 s5;
	s28 =	sadd.s32 $0x100, s28;
	[sflag:s17] =	ssyncset.done $0x0  }
0x41: {  	s0 =	sxor.u32 $0x7C00, s30;
	[sflag:s17] =	ssyncadd.s32 $0xFFFFC000  }
0x42: {  	[tilespmem:s0], [sflag:$0x1] =	stream.indirect.gather [hbm4b:s4+s18], $0x80, s29, s18, $0xb8;
	[tilespmem:$0x1FC00] =	vst v63  }
0x43: {  	s5 =	sor.u32 $0x3C00, s30;
	s1 =	sadd.s32 $0xFFFFFF80, s28  }
0x44: {  	[spmem:s2] =	stream.indirect.scatter.add.f32 [tilespmem:s5], [sflag:$0x2], $0x80, s1, s19, $0xb8;
	[tilespmem:$0x1FC00] =	vst v63  }
0x45: {  	s1 =	sadd.s32 $0x5C00, s30  }
0x46: {  	[spmem:s2] =	stream.indirect.scatter.add.f32 [tilespmem:s1], [sflag:$0x3], $0x80, s28, s19, $0xb8;
	[tilespmem:$0x1FC00] =	vst v63  }
0x47: {  	_ =	swait.ge [sflag:s20], $0x2000  }
0x48: {  	[sflag:s20] =	ssyncset.done $0x0  }
0x49: {  	[sflag:s20] =	ssyncadd.s32 $0xFFFFE000  }
0x4a: {  	_ =	swait.ge [sflag:s21], $0x2000  }
0x4b: {  	[sflag:s21] =	ssyncset.done $0x0  }
0x4c: {  	[sflag:s21] =	ssyncadd.s32 $0xFFFFE000  }
0x4d: {  	_ =	swait.ge [sflag:s17], $0x4000  }
0x4e: {  	[sflag:s17] =	ssyncset.done $0x0  }
0x4f: {  	s0 =	simm.s32 $0x80;
	s5 =	simm.s32 $0x0;
	[sflag:s17] =	ssyncadd.s32 $0xFFFFC000  }
0x50: {  	[tilespmem:s16], [sflag:$0x1] =	stream.indirect.gather [hbm4b:s4+s0], $0x80, s5, s0, $0xb8;
	[tilespmem:$0x1FC00] =	vst v63  }
0x51: {  	_ = 	snop  }
0x52: {  	[spmem:s2] =	stream.indirect.scatter.add.f32 [tilespmem:s23], [sflag:$0x2], $0x80, s22, s19, $0xb8;
	[tilespmem:$0x1FC00] =	vst v63  }
0x53: {  	_ = 	snop  }
0x54: {  	[spmem:s2] =	stream.indirect.scatter.add.f32 [tilespmem:s25], [sflag:$0x3], $0x80, s24, s19, $0xb8;
	[tilespmem:$0x1FC00] =	vst v63  }
0x55: {  	_ =	swait.ge [sflag:s20], $0x2000  }
0x56: {  	[sflag:s20] =	ssyncset.done $0x0  }
0x57: {  	[sflag:s20] =	ssyncadd.s32 $0xFFFFE000  }
0x58: {  	_ =	swait.ge [sflag:s21], $0x2000  }
0x59: {  	[sflag:s21] =	ssyncset.done $0x0  }
0x5a: {  	[sflag:s21] =	ssyncadd.s32 $0xFFFFE000  }
0x5b: {  	_ =	swait.ge [sflag:s17], $0x4000  }
0x5c: {  	[sflag:s17] =	ssyncset.done $0x0  }
0x5d: {  	[sflag:s17] =	ssyncadd.s32 $0xFFFFC000  }
0x5e: {  	[tilespmem:s5], [sflag:$0x4] =	stream.linear.gather [hbm4b:s11+s5], $0x1400, $0x38;
	[tilespmem:$0x1FC00] =	vst v63  }
0x5f: {  	_ =	swait.ge [sflag:s14], $0x1400  }
0x60: {  	[sflag:s14] =	ssyncset.done $0x0  }
0x61: {  	[sflag:s14] =	ssyncadd.s32 $0xFFFFEC00  }
0x62: {  	[tilespmem:s15], [sflag:$0x4] =	stream.linear.gather [hbm4b:s12+s5], $0x2800, $0x38;
	[tilespmem:$0x1FC00] =	vst v63  }
0x63: {  	_ =	swait.ge [sflag:s14], $0x2800  }
0x64: {  	[sflag:s14] =	ssyncset.done $0x0  }
0x65: {  	[sflag:s14] =	ssyncadd.s32 $0xFFFFD800  }
0x66: {  	[tilespmem:s16], [sflag:$0x1] =	stream.indirect.gather [hbm4b:s4+s0], $0x80, s5, s0, $0xb8;
	[tilespmem:$0x1FC00] =	vst v63  }
0x67: {  	s5 =	simm.s32 $0x0;
	_ =	swait.ge [sflag:s17], $0x4000  }
0x68: {  	s1 =	sand.u32 $0x4000, s5;
	[sflag:s17] =	ssyncset.done $0x0  }
0x69: {  	s5 =	sxor.u32 $0x7C00, s1;
	[sflag:s17] =	ssyncadd.s32 $0xFFFFC000  }
0x6a: {  	[tilespmem:s5], [sflag:$0x1] =	stream.indirect.gather [hbm4b:s4+s18], $0x80, s0, s18, $0xb8;
	[tilespmem:$0x1FC00] =	vst v63  }
0x6b: {  	s0 =	sor.u32 $0x3C00, s1;
	s5 =	simm.s32 $0x1400  }
0x6c: {  	[spmem:s2] =	stream.indirect.scatter.add.f32 [tilespmem:s0], [sflag:$0x2], $0x80, s5, s19, $0xb8;
	[tilespmem:$0x1FC00] =	vst v63  }
0x6d: {  	s1 =	sadd.s32 $0x5C00, s1;
	s5 =	simm.s32 $0x1480  }
0x6e: {  	[spmem:s2] =	stream.indirect.scatter.add.f32 [tilespmem:s1], [sflag:$0x3], $0x80, s5, s19, $0xb8;
	[tilespmem:$0x1FC00] =	vst v63  }
0x6f: {  	_ =	swait.ge [sflag:s20], $0x2000  }
0x70: {  	[sflag:s20] =	ssyncset.done $0x0  }
0x71: {  	[sflag:s20] =	ssyncadd.s32 $0xFFFFE000  }
0x72: {  	_ =	swait.ge [sflag:s21], $0x2000  }
0x73: {  	[sflag:s21] =	ssyncset.done $0x0  }
0x74: {  	s31 =	simm.s32 $0x100;
	[sflag:s21] =	ssyncadd.s32 $0xFFFFE000  }
0x75: {  	s29 =	simm.s32 $0x100;
	s5 =	simm.s32 $0x4000;
	_ =	swait.ge [sflag:s17], $0x4000  }
0x76: {  	s28 =	simm.s32 $0x1580;
	s30 =	sand.u32 $0x4000, s5;
	[sflag:s17] =	ssyncset.done $0x0  }
.LBB2_4:
0x77: {  	s0 =	sxor.u32 $0x7C00, s30  }
0x78: {  	[sflag:s17] =	ssyncadd.s32 $0xFFFFC000;
	s1 =	smov.u32 s31;
	s5 =	sadd.s32 $0x80, s31  }
0x79: {  	[tilespmem:s0], [sflag:$0x1] =	stream.indirect.gather [hbm4b:s4+s18], $0x80, s29, s18, $0xb8;
	[tilespmem:$0x1FC00] =	vst v63  }
0x7a: {  	p0 =	sne.s32 s31, $0x1300;
	s31 =	sadd.s32 $0xFFFFFF80, s28;
	s0 =	sor.u32 $0x3C00, s30  }
0x7b: {  	[spmem:s2] =	stream.indirect.scatter.add.f32 [tilespmem:s0], [sflag:$0x2], $0x80, s31, s19, $0xb8;
	[tilespmem:$0x1FC00] =	vst v63  }
0x7c: {  	s0 =	sadd.s32 $0x5C00, s30  }
0x7d: {  	[spmem:s2] =	stream.indirect.scatter.add.f32 [tilespmem:s0], [sflag:$0x3], $0x80, s28, s19, $0xb8;
	[tilespmem:$0x1FC00] =	vst v63  }
0x7e: {  	_ =	swait.ge [sflag:s20], $0x2000  }
0x7f: {  	[sflag:s20] =	ssyncset.done $0x0  }
0x80: {  	[sflag:s20] =	ssyncadd.s32 $0xFFFFE000  }
.Ltmp1:
0x81: {  	_ =	swait.ge [sflag:s21], $0x2000;
	(pc) =	sbr.rel @p0 .LBB2_4-.Ltmp1, $4  }
0x82: {  	[sflag:s21] =	ssyncset.done $0x0  }
0x83: {  	s29 =	sadd.s32 $0x80, s29;
	[sflag:s21] =	ssyncadd.s32 $0xFFFFE000  }
0x84: {  	s31 =	smov.u32 s5;
	s0 =	sshll.u32 s1, $0x7;
	_ =	swait.ge [sflag:s17], $0x4000  }
0x85: {  	s28 =	sadd.s32 $0x100, s28;
	s30 =	sand.u32 $0x4000, s0;
	[sflag:s17] =	ssyncset.done $0x0  }
0x86: {  	s0 =	sxor.u32 $0x7C00, s30;
	[sflag:s17] =	ssyncadd.s32 $0xFFFFC000  }
0x87: {  	[tilespmem:s0], [sflag:$0x1] =	stream.indirect.gather [hbm4b:s4+s18], $0x80, s29, s18, $0xb8;
	[tilespmem:$0x1FC00] =	vst v63  }
0x88: {  	s1 =	sadd.s32 $0xFFFFFF80, s28;
	s29 =	sor.u32 $0x3C00, s30  }
0x89: {  	[spmem:s2] =	stream.indirect.scatter.add.f32 [tilespmem:s29], [sflag:$0x2], $0x80, s1, s19, $0xb8;
	[tilespmem:$0x1FC00] =	vst v63  }
0x8a: {  	s31 =	sadd.s32 $0x5C00, s30  }
0x8b: {  	[spmem:s2] =	stream.indirect.scatter.add.f32 [tilespmem:s31], [sflag:$0x3], $0x80, s28, s19, $0xb8;
	[tilespmem:$0x1FC00] =	vst v63  }
0x8c: {  	_ =	swait.ge [sflag:s20], $0x2000  }
0x8d: {  	[sflag:s20] =	ssyncset.done $0x0  }
0x8e: {  	[sflag:s20] =	ssyncadd.s32 $0xFFFFE000  }
0x8f: {  	_ =	swait.ge [sflag:s21], $0x2000  }
0x90: {  	[sflag:s21] =	ssyncset.done $0x0  }
0x91: {  	[sflag:s21] =	ssyncadd.s32 $0xFFFFE000  }
0x92: {  	_ =	swait.ge [sflag:s17], $0x4000  }
0x93: {  	[sflag:s17] =	ssyncset.done $0x0  }
0x94: {  	[sflag:s17] =	ssyncadd.s32 $0xFFFFC000  }
0x95: {  	[tilespmem:s16], [sflag:$0x1] =	stream.indirect.gather [hbm4b:s4+s18], $0x80, s3, s18, $0xb8;
	[tilespmem:$0x1FC00] =	vst v63  }
0x96: {  	_ = 	snop  }
0x97: {  	[spmem:s2] =	stream.indirect.scatter.add.f32 [tilespmem:s23], [sflag:$0x2], $0x80, s22, s19, $0xb8;
	[tilespmem:$0x1FC00] =	vst v63  }
0x98: {  	_ = 	snop  }
0x99: {  	[spmem:s2] =	stream.indirect.scatter.add.f32 [tilespmem:s25], [sflag:$0x3], $0x80, s24, s19, $0xb8;
	[tilespmem:$0x1FC00] =	vst v63  }
0x9a: {  	_ =	swait.ge [sflag:s20], $0x2000  }
0x9b: {  	[sflag:s20] =	ssyncset.done $0x0  }
0x9c: {  	[sflag:s20] =	ssyncadd.s32 $0xFFFFE000  }
0x9d: {  	_ =	swait.ge [sflag:s21], $0x2000  }
0x9e: {  	[sflag:s21] =	ssyncset.done $0x0  }
0x9f: {  	[sflag:s21] =	ssyncadd.s32 $0xFFFFE000  }
0xa0: {  	_ =	swait.ge [sflag:s17], $0x4000  }
0xa1: {  	s26 =	sadd.s32 $0x1, s26;
	[sflag:s17] =	ssyncset.done $0x0  }
0xa2: {  	p0 =	sne.s32 s26, s9;
	[sflag:s17] =	ssyncadd.s32 $0xFFFFC000  }
.Ltmp2:
0xa3: {  	[bflag:$0x0] =	sbarrier.arrive $0xFFFF;
	(pc) =	sbr.rel @p0 .LBB2_1-.Ltmp2, $4  }
0xa4: {  	[hbm:s7], [sflag:s6] =	dma.local [spmem:s13], $0x2800  }
0xa5: {  	_ =	swait.ge [sflag:s14], $0x2800  }
0xa6: {  	[sflag:s14] =	ssyncset.done $0x0  }
0xa7: {  	[sflag:s14] =	ssyncadd.s32 $0xFFFFD800  }
0xa8: {  	_ =	sfence.sel $0x180000  }
0xa9: {  	[bflag:$0x0] =	sbarrier.arrive $0xFFFF  }
0xaa: {  	_ =	strace $0x9000004D  }
0xab: {  	s0 =	stileid.u32;
	[bflag:$0x2] =	sbarrier.arrive $0xFFFF  }
0xac: {  	p0 =	sne.s32 s0, $0x0;
	s0 =	rddreg [dreg:$0x3]  }
0xad: {  	s0 =	sadd.s32 @!p0 $0x100000, s0  }
0xae: {  	[sflag:s0] =	ssyncadd.tile.s32 @!p0 $0x1;
	_ =	shalt  }
.Lfunc_end2:
_tile_overlayer_lowered:
.L_overlay_start_2:
0xaf: {  	(tag) =	ssettag $0x2  }
0xb0: {  	s0 =	rddreg [dreg:$0x0];
	s2 =	stileid.u32  }
0xb1: {  	s1 =	rddreg [dreg:$0x1];
	p0 =	sne.s32 s2, $0x0  }
0xb2: {  	s3 =	rddreg [dreg:$0x2];
	[bflag:$0x3] =	sbarrier.arrive $0xFFFF;
	s2 =	simm.s32 @!p0 $0x1C04  }
0xb3: {  	[timem:s3], [sflag:s2] =	dma.local @!p0 [hbm:s0], s1  }
0xb4: {  	s0 =	simm.s32 @!p0 $0x4  }
0xb5: {  	_ =	swait.ge @!p0 [sflag:s0], s1  }
0xb6: {  	s1 =	ssub.s32 @!p0 $0x0, s1;
	[sflag:s0] =	ssyncset.done @!p0 $0x0  }
0xb7: {  	[sflag:s0] =	ssyncadd.s32 @!p0 s1  }
0xb8: {  	[bflag:$0x3] =	sbarrier.arrive $0xFFFF  }
0xb9: {  	_ =	shalt  }

// kernel: kernel.8.cloned.1.call-start
scs
__scs_entry_jumppad:
0x0: {  	(pc) =	sbr.rel $0x88, $3  }
0x1: {  	(tag) =	ssettag $0x0;
	lr =	simm.s32 $0x1  }
0x2: {  	[smem:$0x3F99] =	sst lr;
	_ =	strace $0xD0000000  }
0x3: {  	_ = 	snop  }
0x4: {  	_ = 	snop  }
0x5: {  	_ = 	snop  }
0x6: {  	_ = 	snop  }
0x7: {  	_ = 	snop  }
__scs_overlays_trampoline_lowered:
0x8: {  	[smem:$0x3FA8] =	sst s0  }
0x9: {  	[smem:$0x3FA9] =	sst s1  }
0xa: {  	[smem:$0x3FAA] =	sst s2  }
0xb: {  	[smem:$0x3FAB] =	sst s3  }
0xc: {  	[smem:$0x3FAC] =	sst s4  }
0xd: {  	[smem:$0x3FAD] =	sst s5  }
0xe: {  	[smem:$0x3FAE] =	sst s6  }
0xf: {  	[smem:$0x3FAF] =	sst s7  }
0x10: {  	[smem:$0x3FB0] =	sst s8  }
0x11: {  	[smem:$0x3FB1] =	sst s9;
	s0 =	simm.s32 @!p0 $0x0  }
0x12: {  	s1 =	sld [smem:$0x3F97];
	s0 =	simm.s32 @p0 $0x1  }
0x13: {  	[smem:$0x3FB2] =	sst s0;
	s0 =	simm.s32 @!p1 $0x0  }
0x14: {  	s2 =	sld [smem:$0x3F96];
	s0 =	simm.s32 @p1 $0x1  }
0x15: {  	[smem:$0x3FB3] =	sst s0;
	s0 =	simm.s32 @!p2 $0x0  }
0x16: {  	s3 =	sld [smem:$0x3FDB];
	s0 =	simm.s32 @p2 $0x1  }
0x17: {  	s4 =	simm.s32 $0x1BF5;
	[smem:$0x3FB5] =	sst s0  }
0x18: {  	s0 =	sld [smem:$0x3F98];
	_ =	swait.ge [sflag:s4], $0x0  }
0x19: {  	s7 =	sld [smem:$0x3F99]  }
0x1a: {  	s8 =	sadd.s32 $0xFFFFE003, lr  }
0x1b: {  	s9 =	sadd.s32 $0xFFFFFEF7, lr;
	s5 =	simm.s32 $0xFFFFFFFF;
	p2 =	slt.u32 s8, $0xFFFFF086  }
0x1c: {  	p1 =	slt.u32 s9, $0xF7A;
	s5 =	simm.s32 @!p2 $0x0  }
0x1d: {  	s5 =	simm.s32 @p1 $0x1;
	p0 =	seq.s32 s7, s2  }
0x1e: {  	s7 =	smul.u32 @!p0 $0xF7A, s2;
	p2 =	seq.s32 @!p0 s5, $0x0  }
0x1f: {  	s9 =	smul.u32 $0xF7A, s1;
	s8 =	simm.s32 @!p0 $0x1BF5;
	p2 =	por !p2, p0  }
0x20: {  	[sflag:s8] =	ssyncset.s32 @!p0 $0xFFFFF086;
	s6 =	sadd.s32 @!p0 s3, s7;
	s7 =	simm.s32 @!p0 $0x108  }
0x21: {  	s3 =	sadd.s32 s3, s9;
	s6 =	sadd.s32 @!p0 $0x88, s6;
	s7 =	simm.s32 @p2 $0x1082  }
0x22: {  	[simem:s7], [sflag:s8] =	dma.local @!p0 [hbm:s6], $0xF7A  }
0x23: {  	s9 =	sor.u32 $0xD0000000, s2;
	s6 =	simm.s32 $0x108;
	_ =	swait.ge @!p0 [sflag:s8], $0x0  }
0x24: {  	s3 =	sadd.s32 $0x88, s3;
	s6 =	simm.s32 @!p1 $0x1082;
	[sflag:s4] =	ssyncset.s32 $0xFFFFF086  }
0x25: {  	[simem:s6], [sflag:s4] =	dma.local [hbm:s3], $0xF7A  }
0x26: {  	[smem:$0x3F99] =	sst s1;
	(tag) =	ssettag s2;
	_ =	strace s9  }
0x27: {  	s1 =	sld [smem:$0x3FA9]  }
0x28: {  	s2 =	sld [smem:$0x3FAA]  }
0x29: {  	s4 =	sld [smem:$0x3FAC]  }
0x2a: {  	p0 =	seq.s32 s5, $0x0;
	s5 =	sld [smem:$0x3FAD]  }
0x2b: {  	s6 =	sld [smem:$0x3FAE]  }
0x2c: {  	s7 =	sld [smem:$0x3FAF]  }
0x2d: {  	s3 =	simm.s32 $0x108;
	s8 =	sld [smem:$0x3FB0]  }
0x2e: {  	s3 =	simm.s32 @!p0 $0x1082;
	s9 =	sld [smem:$0x3FB1]  }
0x2f: {  	lr =	sadd.s32 s0, s3;
	s0 =	sld [smem:$0x3FA8]  }
0x30: {  	s3 =	sld [smem:$0x3FAB]  }
0x31: {  	[smem:$0x3FB4] =	sst s10  }
0x32: {  	s10 =	sld [smem:$0x3FB2];
	_ =	sdelay $0x3  }
0x33: {  	p0 =	seq.s32 s10, $0x1;
	s10 =	sld [smem:$0x3FB4];
	_ =	sdelay $0x3  }
0x34: {  	[smem:$0x3FB4] =	sst s10  }
0x35: {  	s10 =	sld [smem:$0x3FB3];
	_ =	sdelay $0x3  }
0x36: {  	p1 =	seq.s32 s10, $0x1;
	s10 =	sld [smem:$0x3FB4];
	_ =	sdelay $0x3  }
0x37: {  	[smem:$0x3FB4] =	sst s10  }
0x38: {  	s10 =	sld [smem:$0x3FB5]  }
0x39: {  	_ = 	snop;
	(pc) =	sbr.ind lr, $3  }
0x3a: {  	_ = 	snop  }
0x3b: {  	_ = 	snop  }
0x3c: {  	p2 =	seq.s32 s10, $0x1;
	s10 =	sld [smem:$0x3FB4]  }
0x3d: {  	_ =	shalt  }
0x3e: {  	_ =	shalt  }
0x3f: {  	_ =	shalt  }
0x40: {  	_ =	shalt  }
0x41: {  	_ =	shalt  }
0x42: {  	_ =	shalt  }
0x43: {  	_ =	shalt  }
0x44: {  	_ =	shalt  }
0x45: {  	_ =	shalt  }
0x46: {  	_ =	shalt  }
0x47: {  	_ =	shalt  }
0x48: {  	_ =	shalt  }
0x49: {  	_ =	shalt  }
0x4a: {  	_ =	shalt  }
0x4b: {  	_ =	shalt  }
0x4c: {  	_ =	shalt  }
0x4d: {  	_ =	shalt  }
0x4e: {  	_ =	shalt  }
0x4f: {  	_ =	shalt  }
0x50: {  	_ =	shalt  }
0x51: {  	_ =	shalt  }
0x52: {  	_ =	shalt  }
0x53: {  	_ =	shalt  }
0x54: {  	_ =	shalt  }
0x55: {  	_ =	shalt  }
0x56: {  	_ =	shalt  }
0x57: {  	_ =	shalt  }
0x58: {  	_ =	shalt  }
0x59: {  	_ =	shalt  }
0x5a: {  	_ =	shalt  }
0x5b: {  	_ =	shalt  }
0x5c: {  	_ =	shalt  }
0x5d: {  	_ =	shalt  }
0x5e: {  	_ =	shalt  }
0x5f: {  	_ =	shalt  }
0x60: {  	_ =	shalt  }
0x61: {  	_ =	shalt  }
0x62: {  	_ =	shalt  }
0x63: {  	_ =	shalt  }
0x64: {  	_ =	shalt  }
0x65: {  	_ =	shalt  }
0x66: {  	_ =	shalt  }
0x67: {  	_ =	shalt  }
0x68: {  	_ =	shalt  }
0x69: {  	_ =	shalt  }
0x6a: {  	_ =	shalt  }
0x6b: {  	_ =	shalt  }
0x6c: {  	_ =	shalt  }
0x6d: {  	_ =	shalt  }
0x6e: {  	_ =	shalt  }
0x6f: {  	_ =	shalt  }
0x70: {  	_ =	shalt  }
0x71: {  	_ =	shalt  }
0x72: {  	_ =	shalt  }
0x73: {  	_ =	shalt  }
0x74: {  	_ =	shalt  }
0x75: {  	_ =	shalt  }
0x76: {  	_ =	shalt  }
0x77: {  	_ =	shalt  }
0x78: {  	_ =	shalt  }
0x79: {  	_ =	shalt  }
0x7a: {  	_ =	shalt  }
0x7b: {  	_ =	shalt  }
0x7c: {  	_ =	shalt  }
0x7d: {  	_ =	shalt  }
0x7e: {  	_ =	shalt  }
0x7f: {  	_ =	shalt  }
0x80: {  	_ =	shalt  }
0x81: {  	_ =	shalt  }
0x82: {  	_ =	shalt  }
0x83: {  	_ =	shalt  }
0x84: {  	_ =	shalt  }
0x85: {  	_ =	shalt  }
0x86: {  	_ =	shalt  }
0x87: {  	_ =	shalt  }
.Lfunc_end0:
.L_simem_size_0:
called_computation_lowered:
.L_overlay_start_0:
0x88: {  	s2 =	sld [smem:$0x3FD9]  }
0x89: {  	s3 =	sld [smem:$0x3FFE];
	_ =	sdelay $0x1  }
0x8a: {  	s1 =	srdreg.scid  }
0x8b: {  	s0 =	sand.u32 $0x1, s1  }
0x8c: {  	s16 =	sshll.u32 s0, $0xA;
	s2 =	sadd.s32 s3, s2  }
0x8d: {  	s2 =	sadd.s32 s2, s16  }
0x8e: {  	[smem:$0x3FC0] =	sst s2  }
0x8f: {  	_ = 	snop  }
0x90: {  	(tm) =	ssettm $0x1  }
0x91: {  	s17 =	sld [smem:$0x3FFB];
	_ =	sdelay $0x3  }
0x92: {  	_ =	strace s17  }
0x93: {  	s2 =	sld [smem:$0x3FFC];
	_ =	sdelay $0x3  }
0x94: {  	_ =	strace s2  }
0x95: {  	s2 =	sld [smem:$0x3FFD];
	_ =	sdelay $0x3  }
0x96: {  	_ =	strace s2  }
0x97: {  	_ =	strace $0x8FFFFFFF  }
0x98: {  	s18 =	sld [smem:$0x3FDB];
	_ =	sdelay $0x1  }
0x99: {  	s19 =	simm.s32 $_scs_section_size  }
0x9a: {  	s4 =	simm.s32 $_size__tile_overlayer_lowered;
	s5 =	simm.s32 $_tile_overlayer_lowered  }
0x9b: {  	s22 =	simm.s32 $0x1BFF;
	s21 =	sshll.u32 s5, $0x1;
	s2 =	sadd.s32 s19, s18  }
0x9c: {  	s6 =	simm.s32 $0x0;
	s20 =	sshll.u32 s4, $0x1;
	s4 =	sadd.s32 s21, s2  }
0x9d: {  	[timem:s6], [sflag:s22] =	dma.local [hbm:s4], s20  }
0x9e: {  	_ =	swait.ge [sflag:s22], s20  }
0x9f: {  	s3 =	ssub.s32 $0x0, s20;
	[sflag:s22] =	ssyncset.done $0x0  }
0xa0: {  	[sflag:s22] =	ssyncadd.s32 s3;
	_ =	sdelay $0x1  }
0xa1: {  	s23 =	simm.s32 $0x1B8B  }
0xa2: {  	_ =	swait.ge [sflag:s23], $0x1  }
0xa3: {  	[sflag:s23] =	ssyncset.done $0x0  }
0xa4: {  	s25 =	simm.s32 $0x1B8E;
	s24 =	sld [smem:$0x3FFE];
	[sflag:s23] =	ssyncadd.s32 $0xFFFFFFFF  }
0xa5: {  	s26 =	simm.s32 $execute0_lowered;
	[smem:$0x3FD2] =	sst s25  }
0xa6: {  	s4 =	sshll.u32 s26, $0x1;
	_ =	strace $0x80000046;
	[dreg:$0x1] =	wrdreg $0xFFFFFFFF  }
0xa7: {  	s28 =	simm.s32 $_size_execute0_lowered;
	s2 =	sadd.s32 s2, s4;
	[dreg:$0x0] =	wrdreg $0x0  }
0xa8: {  	s4 =	sshll.u32 s28, $0x1;
	[dreg:$0x2] =	wrdreg s2  }
0xa9: {  	[dreg:$0x3] =	wrdreg s4  }
0xaa: {  	[dreg:$0x4] =	wrdreg $0xC0  }
0xab: {  	_ =	task [dreg:s6], $0x5FFFF  }
0xac: {  	[dreg:$0x1] =	wrdreg $0xFFFFFFFF  }
0xad: {  	[dreg:$0x0] =	wrdreg $0x60  }
0xae: {  	[dreg:$0x2] =	wrdreg s24  }
0xaf: {  	[dreg:$0x3] =	wrdreg $0x54800  }
0xb0: {  	[dreg:$0x4] =	wrdreg $0x9  }
0xb1: {  	_ =	task.clear_ibuf [dreg:s6], $0x5FFFF;
	_ =	strace $0x90000046  }
0xb2: {  	s29 =	simm.s32 $0x9;
	_ =	strace $0x80000048  }
0xb3: {  	_ =	swait.ge [sflag:s29], $0x1  }
0xb4: {  	[sflag:s29] =	ssyncadd.s32 $0xFFFFFFFF  }
0xb5: {  	_ =	strace $0x90000048  }
0xb6: {  	_ =	sfence  }
0xb7: {  	s30 =	sld [smem:$0x0];
	_ =	sdelay $0x2  }
0xb8: {  	s31 =	sshll.u32 s1, $0xD;
	s1 =	sshrl.u32 s1, $0x2  }
0xb9: {  	s3 =	sand.u32 $0x4000, s31;
	s1 =	sadd.s32 s1, s30  }
0xba: {  	s0 =	sor.u32 s3, s0;
	s1 =	sshll.u32 s1, $0x11  }
0xbb: {  	s0 =	sor.u32 s1, s0  }
0xbc: {  	s0 =	sadd.s32 $0x8F2B, s0  }
0xbd: {  	[sflag:s0] =	ssyncadd.remote.s32 $0x1  }
0xbe: {  	_ =	sfence.sel $0xFFFF  }
0xbf: {  	[dreg:$0x0] =	wrdreg $0xFFFFFFFF;
	(pc) =	sbr.abs _section_cstart, $3  }
0xc0: {  	[dreg:$0x1] =	wrdreg $0xFFFFFFFF  }
0xc1: {  	_ =	task.clear_ibuf [dreg:s6], $0x2FFFF;
	_ =	strace $0x9FFFFFFF  }
0xc2: {  	(tm) =	ssettm $0x7FFFFFFF  }
0xc3: {  	_ =	shalt  }
tec
execute0_lowered:
.L_overlay_start_1:
0x0: {  	(tag) =	ssettag $0x1  }
0x1: {  	s0 =	srdreg.scid;
	s5 =	rddreg [dreg:$0x0]  }
0x2: {  	s2 =	rddreg [dreg:$0x1];
	s1 =	stileid.u32;
	s3 =	simm.s32 $0x0  }
0x3: {  	s12 =	simm.s32 $0x1400;
	s4 =	sand.u32 $0x1, s0;
	s0 =	rddreg [dreg:$0x2]  }
0x4: {  	s13 =	simm.s32 $0x80;
	s16 =	simm.s32 $0x0;
	[smem:$0x7FF] =	sst s3  }
0x5: {  	s7 =	sshll.u32 s1, $0xA;
	s14 =	sshll.u32 s1, $0x6;
	s6 =	sshll.u32 s4, $0x4  }
0x6: {  	_ =	strace $0x80000047;
	s8 =	sshll.u32 s4, $0xE;
	s6 =	sor.u32 s1, s6  }
0x7: {  	s31 =	ssub.s32 $0x2, s4;
	s4 =	sadd.s32 $0x6800, s5;
	s6 =	smul.u32 $0x280, s6  }
0x8: {  	s14 =	sor.u32 $0x1C01, s14;
	s30 =	sor.u32 s7, s8;
	s10 =	sshrl.u32 s31, $0x1  }
0x9: {  	s10 =	ssub.s32 s31, s10;
	s9 =	sadd.s32 s6, s5;
	s6 =	sshrl.u32 s30, $0x3  }
0xa: {  	s11 =	sadd.s32 s6, s5;
	s5 =	sadd.s32 s7, s2;
	s6 =	sadd.s32 $0x1400, s7  }
0xb: {  	s7 =	sadd.s32 $0x1800, s9;
	s9 =	smax.u32 s10, $0x1;
	s10 =	simm.s32 $0x1  }
0xc: {  	v0 =	vimm.f32 $0.0e+00;
	v1 =	vimm.f32 $1.000000000e+00;
	s8 =	sadd.s32 $0x6A00, s11;
	s11 =	simm.s32 $0x5400;
	s15 =	sshrl.u32 s5, $0x3  }
.LBB2_1:
0xd: {  	s17 =	simm.s32 $0x0;
	s18 =	simm.s32 $0x200  }
.LBB2_2:
0xe: {  	p0 =	sne.s32 s18, $0xFE00;
	[tilespmem:s17+$0x1470] =	vst v0  }
0xf: {  	[tilespmem:s17+$0x1400] =	vst v0  }
0x10: {  	[tilespmem:s17+$0x1410] =	vst v0  }
.Ltmp0:
0x11: {  	[tilespmem:s17+$0x1420] =	vst v0;
	(pc) =	sbr.rel @p0 .LBB2_2-.Ltmp0, $4  }
0x12: {  	[tilespmem:s17+$0x1430] =	vst v0  }
0x13: {  	[tilespmem:s17+$0x1440] =	vst v0  }
0x14: {  	[tilespmem:s17+$0x1450] =	vst v0  }
0x15: {  	[tilespmem:s17+$0x1460] =	vst v0;
	s17 =	sshra.s32 s18, $0x2;
	s18 =	sadd.s32 $0x200, s18  }
0x16: {  	[tilespmem:s17+$0x1470] =	vst v0  }
0x17: {  	[tilespmem:s17+$0x1400] =	vst v0  }
0x18: {  	[tilespmem:s17+$0x1410] =	vst v0  }
0x19: {  	[tilespmem:s17+$0x1420] =	vst v0  }
0x1a: {  	[tilespmem:s17+$0x1430] =	vst v0  }
0x1b: {  	[tilespmem:s17+$0x1440] =	vst v0  }
0x1c: {  	[tilespmem:s17+$0x1450] =	vst v0  }
0x1d: {  	[tilespmem:s17+$0x1460] =	vst v0  }
0x1e: {  	[spmem:s5] =	stream.linear.scatter [tilespmem:s6], [sflag:$0x1], $0x400, $0x38;
	[tilespmem:$0x5880] =	vst v63  }
0x1f: {  	_ =	swait.ge [sflag:s10], $0x400  }
0x20: {  	[sflag:s10] =	ssyncset.done $0x0  }
0x21: {  	[sflag:s10] =	ssyncadd.s32 $0xFFFFFC00  }
0x22: {  	[tilespmem:s3], [sflag:$0x1] =	stream.linear.gather [hbm4b:s7+s3], $0x1400, $0x38;
	[tilespmem:$0x5880] =	vst v63  }
0x23: {  	_ =	swait.ge [sflag:s10], $0x1400  }
0x24: {  	[sflag:s10] =	ssyncset.done $0x0  }
0x25: {  	[sflag:s10] =	ssyncadd.s32 $0xFFFFEC00  }
0x26: {  	[tilespmem:s11], [sflag:$0x1] =	stream.linear.gather [hbm4b:s4+s3], $0x80, $0x38;
	[tilespmem:$0x5880] =	vst v63  }
0x27: {  	_ =	swait.ge [sflag:s10], $0x80  }
0x28: {  	[sflag:s10] =	ssyncset.done $0x0  }
0x29: {  	s17 =	simm.s32 $0x1C0;
	[sflag:s10] =	ssyncadd.s32 $0xFFFFFF80  }
.LBB2_4:
0x2a: {  	s18 =	sshra.s32 s17, $0x2  }
0x2b: {  	v2 =	vld [tilespmem:s18+$0xFFFFFF90];
	_ =	sdelay $0x7  }
0x2c: {  	[tilespmem:v2+s12+$0x0] =	vst.idx.add.f32.msk $0xffff, v1  }
0x2d: {  	v2 =	vld [tilespmem:s18+$0xFFFFFFA0];
	_ =	sdelay $0x7  }
0x2e: {  	[tilespmem:v2+s12+$0x0] =	vst.idx.add.f32.msk $0xffff, v1  }
0x2f: {  	v2 =	vld [tilespmem:s18+$0xFFFFFFB0];
	_ =	sdelay $0x7  }
0x30: {  	[tilespmem:v2+s12+$0x0] =	vst.idx.add.f32.msk $0xffff, v1  }
0x31: {  	v2 =	vld [tilespmem:s18+$0xFFFFFFC0];
	_ =	sdelay $0x7  }
0x32: {  	[tilespmem:v2+s12+$0x0] =	vst.idx.add.f32.msk $0xffff, v1  }
0x33: {  	v2 =	vld [tilespmem:s18+$0xFFFFFFD0];
	_ =	sdelay $0x7  }
0x34: {  	[tilespmem:v2+s12+$0x0] =	vst.idx.add.f32.msk $0xffff, v1  }
0x35: {  	v2 =	vld [tilespmem:s18+$0xFFFFFFE0];
	_ =	sdelay $0x7  }
0x36: {  	[tilespmem:v2+s12+$0x0] =	vst.idx.add.f32.msk $0xffff, v1  }
0x37: {  	v2 =	vld [tilespmem:s18+$0xFFFFFFF0];
	_ =	sdelay $0x7  }
0x38: {  	[tilespmem:v2+s12+$0x0] =	vst.idx.add.f32.msk $0xffff, v1  }
0x39: {  	v2 =	vld [tilespmem:s18+$0x0];
	_ =	sdelay $0x2  }
0x3a: {  	p0 =	sne.s32 s17, $0x4FC0  }
.Ltmp1:
0x3b: {  	_ = 	snop;
	(pc) =	sbr.rel @p0 .LBB2_4-.Ltmp1, $2  }
0x3c: {  	_ =	sdelay $0x2  }
0x3d: {  	s17 =	sadd.s32 $0x200, s17;
	[tilespmem:v2+s12+$0x0] =	vst.idx.add.f32.msk $0xffff, v1  }
0x3e: {  	[bflag:$0x0] =	sbarrier.arrive $0xFFFF  }
0x3f: {  	[spmem:s2] =	stream.indirect.scatter.add.f32 [tilespmem:s12], [sflag:$0x1], $0x80, s11, s13, $0xb8;
	[tilespmem:$0x5880] =	vst v63  }
0x40: {  	_ =	swait.ge [sflag:s10], $0x4000  }
0x41: {  	s16 =	sadd.s32 $0x1, s16;
	[sflag:s10] =	ssyncset.done $0x0  }
0x42: {  	p0 =	sne.s32 s16, s9;
	[sflag:s10] =	ssyncadd.s32 $0xFFFFC000  }
.Ltmp2:
0x43: {  	[bflag:$0x0] =	sbarrier.arrive $0xFFFF;
	(pc) =	sbr.rel @p0 .LBB2_1-.Ltmp2, $4  }
0x44: {  	[hbm:s8], [sflag:s14] =	dma.local [spmem:s15], $0x80  }
0x45: {  	_ =	swait.ge [sflag:s10], $0x80  }
0x46: {  	[sflag:s10] =	ssyncset.done $0x0  }
0x47: {  	[sflag:s10] =	ssyncadd.s32 $0xFFFFFF80  }
0x48: {  	_ =	sfence.sel $0x180000  }
0x49: {  	[bflag:$0x0] =	sbarrier.arrive $0xFFFF  }
0x4a: {  	p0 =	sne.s32 s1, $0x0;
	_ =	strace $0x90000047  }
0x4b: {  	s0 =	sadd.s32 @!p0 $0x100000, s0;
	[bflag:$0x2] =	sbarrier.arrive $0xFFFF  }
0x4c: {  	[sflag:s0] =	ssyncadd.tile.s32 @!p0 $0x1;
	_ =	shalt  }
.Lfunc_end2:
_tile_overlayer_lowered:
.L_overlay_start_2:
0x4d: {  	(tag) =	ssettag $0x2  }
0x4e: {  	s0 =	rddreg [dreg:$0x0];
	s2 =	stileid.u32  }
0x4f: {  	s1 =	rddreg [dreg:$0x1];
	p0 =	sne.s32 s2, $0x0  }
0x50: {  	s3 =	rddreg [dreg:$0x2];
	[bflag:$0x3] =	sbarrier.arrive $0xFFFF;
	s2 =	simm.s32 @!p0 $0x1C01  }
0x51: {  	[timem:s3], [sflag:s2] =	dma.local @!p0 [hbm:s0], s1  }
0x52: {  	s0 =	simm.s32 @!p0 $0x1  }
0x53: {  	_ =	swait.ge @!p0 [sflag:s0], s1  }
0x54: {  	s1 =	ssub.s32 @!p0 $0x0, s1;
	[sflag:s0] =	ssyncset.done @!p0 $0x0  }
0x55: {  	[sflag:s0] =	ssyncadd.s32 @!p0 s1  }
0x56: {  	[bflag:$0x3] =	sbarrier.arrive $0xFFFF  }
0x57: {  	_ =	shalt  }

</sc_bundles>
